<compile_context>
chip_gen: v7x
topology: tpu7x:2x2x1
jax: 0.10.2.dev20260603
libtpu: 0.0.44.dev20260713+nightly
codegen_flags: <defaults>
</compile_context>

<pallas_src>
import jax
import jax.numpy as jnp
from jax import lax
from jax.experimental import pallas as pl
from jax.experimental.pallas import tpu as pltpu
from jax.experimental.pallas import tpu_sc as plsc

F = 128
B = 50000
S = 10
NW = 32
C = 32
KCH = 49
BP = NW * KCH * C
BT = 1024
GRID = BP // BT


def _sc_body(feat_hbm, nodes_hbm, neigh_hbm, self_out, nsum_out,
             sidx_v, widx_v, nbuf, sbuf, mbuf, gsem, osem):
    wid = lax.axis_index("s") * 2 + lax.axis_index("c")
    crow0 = wid * KCH

    pltpu.sync_copy(nodes_hbm.at[wid], sidx_v)
    pltpu.sync_copy(neigh_hbm.at[wid], widx_v)

    def chunk(k, carry):
        base = (crow0 + k) * C
        hs = pltpu.async_copy(feat_hbm.at[sidx_v.at[k]], sbuf, gsem)
        hn = [pltpu.async_copy(feat_hbm.at[widx_v.at[j, k]], nbuf.at[j], gsem)
              for j in range(S)]
        hs.wait()
        for h in hn:
            h.wait()

        def row(r, rc):
            for c in range(F // 16):
                acc = nbuf[0, r, pl.ds(c * 16, 16)]
                for j in range(1, S):
                    acc = acc + nbuf[j, r, pl.ds(c * 16, 16)]
                mbuf[r, pl.ds(c * 16, 16)] = acc
            return rc
        lax.fori_loop(0, C, row, 0)

        ho1 = pltpu.async_copy(sbuf, self_out.at[pl.ds(base, C)], osem)
        ho2 = pltpu.async_copy(mbuf, nsum_out.at[pl.ds(base, C)], osem)
        ho1.wait()
        ho2.wait()
        return carry

    lax.fori_loop(0, KCH, chunk, 0)


def _sc_gather(features, nodes3, neighT3):
    f32 = jnp.float32
    kfn = pl.kernel(
        _sc_body,
        out_type=[jax.ShapeDtypeStruct((BP, F), f32),
                  jax.ShapeDtypeStruct((BP, F), f32)],
        mesh=plsc.VectorSubcoreMesh(core_axis_name="c", subcore_axis_name="s"),
        scratch_types=[
            pltpu.VMEM((KCH, C), jnp.int32),
            pltpu.VMEM((S, KCH, C), jnp.int32),
            pltpu.VMEM((S, C, F), f32),
            pltpu.VMEM((C, F), f32),
            pltpu.VMEM((C, F), f32),
            pltpu.SemaphoreType.DMA,
            pltpu.SemaphoreType.DMA,
        ],
    )
    return kfn(features, nodes3, neighT3)


def _tc_body(s_ref, n_ref, w_ref, o_ref):
    ns = n_ref[...] * jnp.float32(1.0 / S)
    comb = jnp.concatenate([s_ref[...], ns], axis=1)
    z = lax.dot_general(w_ref[...], comb, (((1,), (1,)), ((), ())),
                        preferred_element_type=jnp.float32)
    o_ref[...] = jnp.tanh(z) + jnp.tanh(ns).T


def _tc_dense(self_p, nsum_p, weight):
    return pl.pallas_call(
        _tc_body,
        grid=(GRID,),
        in_specs=[
            pl.BlockSpec((BT, F), lambda i: (i, 0)),
            pl.BlockSpec((BT, F), lambda i: (i, 0)),
            pl.BlockSpec((F, 2 * F), lambda i: (0, 0)),
        ],
        out_specs=pl.BlockSpec((F, BT), lambda i: (0, i)),
        out_shape=jax.ShapeDtypeStruct((F, B), jnp.float32),
    )(self_p, nsum_p, weight)


def kernel(features, weight, nodes, neigh_idx):
    nodes3 = jnp.pad(nodes, (0, BP - B)).reshape(NW, KCH, C)
    neighT4 = (jnp.pad(neigh_idx, ((0, BP - B), (0, 0)))
               .T.reshape(S, NW, KCH, C).transpose(1, 0, 2, 3))
    self_p, nsum_p = _sc_gather(features, nodes3, neighT4)
    return _tc_dense(self_p, nsum_p, weight)

# --- scband reference (transcript-rebuilt; emitter-appended) ---
"""Pipeline reference for scband-encoder-20538533610158 (READ-ONLY COPY).

The authoritative reference and input builder live on the scoring server;
editing this copy changes nothing except your own understanding.
"""

import jax, jax.numpy as jnp
import numpy as np

N_NODES = 100000
FEAT_DIM = 128
EMBED_DIM = 128
BATCH = 50000
NUM_SAMPLE = 10


def setup_inputs(seed: int = 0) -> dict:
    key = jax.random.key(seed)
    k1, k2, k3, k4 = jax.random.split(key, 4)
    # node feature table (the `features` nn.Embedding in the torch module)
    features = jax.random.normal(k1, (N_NODES, FEAT_DIM), dtype=jnp.float32)
    # batch of node ids
    nodes = jax.random.randint(k2, (BATCH,), 0, N_NODES, dtype=jnp.int32)
    # pre-sampled neighbor ids (adj_lists + random neighbor sampling done by the
    # MeanAggregator in the torch code, materialized here as an index tensor)
    neigh_idx = jax.random.randint(k3, (BATCH, NUM_SAMPLE), 0, N_NODES, dtype=jnp.int32)
    # encoder weight: [embed_dim, 2 * feat_dim], xavier-uniform
    limit = float(np.sqrt(6.0 / (EMBED_DIM + 2 * FEAT_DIM)))
    weight = jax.random.uniform(k4, (EMBED_DIM, 2 * FEAT_DIM), dtype=jnp.float32,
                                minval=-limit, maxval=limit)
    return {"features": features, "weight": weight, "nodes": nodes, "neigh_idx": neigh_idx}


def reference(features, weight, nodes, neigh_idx):
    # GraphSAGE encoder forward (gcn=False, use_att=1, noise0=1, domain='source', model='test'):
    # self feats: embedding lookup of the batch nodes
    self_feats = jnp.take(features, nodes, axis=0)                      # [B, F]
    # neighbor feats: mean aggregator over sampled neighbors
    neigh_feats = jnp.mean(jnp.take(features, neigh_idx, axis=0), axis=1)  # [B, F]
    combined = jnp.concatenate([self_feats, neigh_feats], axis=1)       # [B, 2F]
    # combined = tanh(W @ combined^T)^T
    combined = jnp.tanh(combined @ weight.T)                            # [B, E]
    # residual-ish add of tanh(neigh_feats) (requires E == F)
    combined = combined + jnp.tanh(neigh_feats)                         # [B, E]
    return combined.T                                                   # [E, B]

if __name__ == "__main__":
    import jax
    _d = setup_inputs()
    print(jax.jit(kernel)(*tuple(_d.values())))

</pallas_src>

<mosaic_0001>
#map = affine_map<(d0, d1) -> (0, 0)>
#map1 = affine_map<(d0, d1) -> (0, 0, 0)>
#map2 = affine_map<(d0, d1) -> (0, 0, 0, 0)>
module attributes {stable_mosaic.version = 14 : i64} {
  func.func @_sc_body(%arg0: i32, %arg1: i32, %arg2: memref<100000x128xf32, #tpu.memory_space<hbm>>, %arg3: memref<32x49x32xi32, #tpu.memory_space<hbm>>, %arg4: memref<32x10x49x32xi32, #tpu.memory_space<hbm>>, %arg5: memref<50176x128xf32, #tpu.memory_space<hbm>>, %arg6: memref<50176x128xf32, #tpu.memory_space<hbm>>, %arg7: memref<49x32xi32, #tpu.memory_space<vmem>>, %arg8: memref<10x49x32xi32, #tpu.memory_space<vmem>>, %arg9: memref<10x32x128xf32, #tpu.memory_space<vmem>>, %arg10: memref<32x128xf32, #tpu.memory_space<vmem>>, %arg11: memref<32x128xf32, #tpu.memory_space<vmem>>, %arg12: memref<!tpu.dma_semaphore, #tpu.memory_space<semaphore_mem>>, %arg13: memref<!tpu.dma_semaphore, #tpu.memory_space<semaphore_mem>>) attributes {dimension_semantics = [#tpu.dimension_semantics<core_parallel>, #tpu.dimension_semantics<subcore_parallel>], iteration_bounds = array<i64: 2, 16>, scalar_prefetch = 0 : i64, scratch_operands = 7 : i64, tpu.core_type = #tpu.core_type<sc_vector_subcore>, window_params = [{transform_indices = #map}, {transform_indices = #map1}, {transform_indices = #map2}, {transform_indices = #map}, {transform_indices = #map}]} {
    %mul3A = arith.constant 2 : i32
    %mul3A_0 = arith.muli %arg1, %mul3A : i32
    %add3A = arith.addi %mul3A_0, %arg0 : i32
    %mul3A_1 = arith.constant 49 : i32
    %mul3A_2 = arith.muli %add3A, %mul3A_1 : i32
    "tpu.region"() ({
      %run_scoped3A = tpu.sem_alloc : memref<!tpu.dma_semaphore, #tpu.memory_space<semaphore_mem>>
      %dma_start3A = arith.constant 0 : i32
      %dma_start3A_8 = arith.constant 0 : i32
      %dma_start3A_9 = tpu.memref_slice %arg3[%add3A, %dma_start3A, %dma_start3A_8] : memref<32x49x32xi32, #tpu.memory_space<hbm>> -> memref<1x49x32xi32, #tpu.memory_space<hbm>>
      %dma_start3A_10 = tpu.memref_squeeze %dma_start3A_9 : memref<1x49x32xi32, #tpu.memory_space<hbm>> -> memref<49x32xi32, #tpu.memory_space<hbm>>
      %dma_start3A_11 = arith.constant 0 : i32
      %dma_start3A_12 = arith.constant 0 : i32
      %dma_start3A_13 = tpu.memref_slice %arg3[%add3A, %dma_start3A_11, %dma_start3A_12] : memref<32x49x32xi32, #tpu.memory_space<hbm>> -> memref<1x49x32xi32, #tpu.memory_space<hbm>>
      %dma_start3A_14 = tpu.memref_squeeze %dma_start3A_13 : memref<1x49x32xi32, #tpu.memory_space<hbm>> -> memref<49x32xi32, #tpu.memory_space<hbm>>
      tpu.enqueue_dma source(%dma_start3A_14 : memref<49x32xi32, #tpu.memory_space<hbm>>) target(%arg7 : memref<49x32xi32, #tpu.memory_space<vmem>>) target_semaphore(%run_scoped3A : memref<!tpu.dma_semaphore, #tpu.memory_space<semaphore_mem>>)
      %dma_wait3A = arith.constant 0 : i32
      %dma_wait3A_15 = arith.constant 0 : i32
      %dma_wait3A_16 = tpu.memref_slice %arg3[%add3A, %dma_wait3A, %dma_wait3A_15] : memref<32x49x32xi32, #tpu.memory_space<hbm>> -> memref<1x49x32xi32, #tpu.memory_space<hbm>>
      %dma_wait3A_17 = tpu.memref_squeeze %dma_wait3A_16 : memref<1x49x32xi32, #tpu.memory_space<hbm>> -> memref<49x32xi32, #tpu.memory_space<hbm>>
      %dma_wait3A_18 = arith.constant 0 : i32
      %dma_wait3A_19 = arith.constant 0 : i32
      %dma_wait3A_20 = tpu.memref_slice %arg3[%add3A, %dma_wait3A_18, %dma_wait3A_19] : memref<32x49x32xi32, #tpu.memory_space<hbm>> -> memref<1x49x32xi32, #tpu.memory_space<hbm>>
      %dma_wait3A_21 = tpu.memref_squeeze %dma_wait3A_20 : memref<1x49x32xi32, #tpu.memory_space<hbm>> -> memref<49x32xi32, #tpu.memory_space<hbm>>
      tpu.wait_dma2 semaphore(%run_scoped3A : memref<!tpu.dma_semaphore, #tpu.memory_space<semaphore_mem>>) src(%dma_wait3A_21 : memref<49x32xi32, #tpu.memory_space<hbm>>) dst(%arg7 : memref<49x32xi32, #tpu.memory_space<vmem>>)
      tpu.yield
    }) : () -> ()
    "tpu.region"() ({
      %run_scoped3A = tpu.sem_alloc : memref<!tpu.dma_semaphore, #tpu.memory_space<semaphore_mem>>
      %dma_start3A = arith.constant 0 : i32
      %dma_start3A_8 = arith.constant 0 : i32
      %dma_start3A_9 = arith.constant 0 : i32
      %dma_start3A_10 = tpu.memref_slice %arg4[%add3A, %dma_start3A, %dma_start3A_8, %dma_start3A_9] : memref<32x10x49x32xi32, #tpu.memory_space<hbm>> -> memref<1x10x49x32xi32, #tpu.memory_space<hbm>>
      %dma_start3A_11 = tpu.memref_squeeze %dma_start3A_10 : memref<1x10x49x32xi32, #tpu.memory_space<hbm>> -> memref<10x49x32xi32, #tpu.memory_space<hbm>>
      %dma_start3A_12 = arith.constant 0 : i32
      %dma_start3A_13 = arith.constant 0 : i32
      %dma_start3A_14 = arith.constant 0 : i32
      %dma_start3A_15 = tpu.memref_slice %arg4[%add3A, %dma_start3A_12, %dma_start3A_13, %dma_start3A_14] : memref<32x10x49x32xi32, #tpu.memory_space<hbm>> -> memref<1x10x49x32xi32, #tpu.memory_space<hbm>>
      %dma_start3A_16 = tpu.memref_squeeze %dma_start3A_15 : memref<1x10x49x32xi32, #tpu.memory_space<hbm>> -> memref<10x49x32xi32, #tpu.memory_space<hbm>>
      tpu.enqueue_dma source(%dma_start3A_16 : memref<10x49x32xi32, #tpu.memory_space<hbm>>) target(%arg8 : memref<10x49x32xi32, #tpu.memory_space<vmem>>) target_semaphore(%run_scoped3A : memref<!tpu.dma_semaphore, #tpu.memory_space<semaphore_mem>>)
      %dma_wait3A = arith.constant 0 : i32
      %dma_wait3A_17 = arith.constant 0 : i32
      %dma_wait3A_18 = arith.constant 0 : i32
      %dma_wait3A_19 = tpu.memref_slice %arg4[%add3A, %dma_wait3A, %dma_wait3A_17, %dma_wait3A_18] : memref<32x10x49x32xi32, #tpu.memory_space<hbm>> -> memref<1x10x49x32xi32, #tpu.memory_space<hbm>>
      %dma_wait3A_20 = tpu.memref_squeeze %dma_wait3A_19 : memref<1x10x49x32xi32, #tpu.memory_space<hbm>> -> memref<10x49x32xi32, #tpu.memory_space<hbm>>
      %dma_wait3A_21 = arith.constant 0 : i32
      %dma_wait3A_22 = arith.constant 0 : i32
      %dma_wait3A_23 = arith.constant 0 : i32
      %dma_wait3A_24 = tpu.memref_slice %arg4[%add3A, %dma_wait3A_21, %dma_wait3A_22, %dma_wait3A_23] : memref<32x10x49x32xi32, #tpu.memory_space<hbm>> -> memref<1x10x49x32xi32, #tpu.memory_space<hbm>>
      %dma_wait3A_25 = tpu.memref_squeeze %dma_wait3A_24 : memref<1x10x49x32xi32, #tpu.memory_space<hbm>> -> memref<10x49x32xi32, #tpu.memory_space<hbm>>
      tpu.wait_dma2 semaphore(%run_scoped3A : memref<!tpu.dma_semaphore, #tpu.memory_space<semaphore_mem>>) src(%dma_wait3A_25 : memref<10x49x32xi32, #tpu.memory_space<hbm>>) dst(%arg8 : memref<10x49x32xi32, #tpu.memory_space<vmem>>)
      tpu.yield
    }) : () -> ()
    %scan3A = arith.constant 0 : i32
    %scan3A_3 = arith.constant 0 : i32
    %scan3A_4 = arith.constant 49 : i32
    %scan3A_5 = arith.addi %scan3A_3, %scan3A_4 : i32
    %scan3A_6 = arith.constant 1 : i32
    scf.for %scan3A_8 = %scan3A_3 to %scan3A_5 step %scan3A_6  : i32 {
      %add3A_9 = arith.addi %mul3A_2, %scan3A_8 : i32
      %mul3A_10 = arith.constant 32 : i32
      %mul3A_11 = arith.muli %add3A_9, %mul3A_10 : i32
      %dma_start3A = arith.constant 0 : i32
      %dma_start3A_12 = tpu.memref_slice %arg7[%scan3A_8, %dma_start3A] : memref<49x32xi32, #tpu.memory_space<vmem>> -> memref<1x32xi32, #tpu.memory_space<vmem>>
      %dma_start3A_13 = tpu.memref_squeeze %dma_start3A_12 : memref<1x32xi32, #tpu.memory_space<vmem>> -> memref<32xi32, #tpu.memory_space<vmem>>
      %dma_start3A_14 = arith.constant 0 : i32
      %dma_start3A_15 = arith.constant 0 : i32
      %dma_start3A_16 = tpu.memref_slice %arg2[%dma_start3A_14, %dma_start3A_15] : memref<100000x128xf32, #tpu.memory_space<hbm>> -> memref<100000x128xf32, #tpu.memory_space<hbm>>
      tpu.enqueue_indirect_dma source(%dma_start3A_16 : memref<100000x128xf32, #tpu.memory_space<hbm>>) target(%arg10 : memref<32x128xf32, #tpu.memory_space<vmem>>) offsets(%dma_start3A_13 : memref<32xi32, #tpu.memory_space<vmem>>) semaphore(%arg12 : memref<!tpu.dma_semaphore, #tpu.memory_space<semaphore_mem>>)
      %dma_start3A_17 = arith.constant 0 : i32
      %dma_start3A_18 = arith.constant 0 : i32
      %dma_start3A_19 = arith.constant 0 : i32
      %dma_start3A_20 = arith.constant 0 : i32
      %dma_start3A_21 = tpu.memref_slice %arg9[%dma_start3A_18, %dma_start3A_19, %dma_start3A_20] : memref<10x32x128xf32, #tpu.memory_space<vmem>> -> memref<1x32x128xf32, #tpu.memory_space<vmem>>
      %dma_start3A_22 = tpu.memref_squeeze %dma_start3A_21 : memref<1x32x128xf32, #tpu.memory_space<vmem>> -> memref<32x128xf32, #tpu.memory_space<vmem>>
      %dma_start3A_23 = arith.constant 0 : i32
      %dma_start3A_24 = tpu.memref_slice %arg8[%dma_start3A_17, %scan3A_8, %dma_start3A_23] : memref<10x49x32xi32, #tpu.memory_space<vmem>> -> memref<1x1x32xi32, #tpu.memory_space<vmem>>
      %dma_start3A_25 = tpu.memref_squeeze %dma_start3A_24 : memref<1x1x32xi32, #tpu.memory_space<vmem>> -> memref<32xi32, #tpu.memory_space<vmem>>
      %dma_start3A_26 = arith.constant 0 : i32
      %dma_start3A_27 = arith.constant 0 : i32
      %dma_start3A_28 = tpu.memref_slice %arg2[%dma_start3A_26, %dma_start3A_27] : memref<100000x128xf32, #tpu.memory_space<hbm>> -> memref<100000x128xf32, #tpu.memory_space<hbm>>
      tpu.enqueue_indirect_dma source(%dma_start3A_28 : memref<100000x128xf32, #tpu.memory_space<hbm>>) target(%dma_start3A_22 : memref<32x128xf32, #tpu.memory_space<vmem>>) offsets(%dma_start3A_25 : memref<32xi32, #tpu.memory_space<vmem>>) semaphore(%arg12 : memref<!tpu.dma_semaphore, #tpu.memory_space<semaphore_mem>>)
      %dma_start3A_29 = arith.constant 1 : i32
      %dma_start3A_30 = arith.constant 1 : i32
      %dma_start3A_31 = arith.constant 0 : i32
      %dma_start3A_32 = arith.constant 0 : i32
      %dma_start3A_33 = tpu.memref_slice %arg9[%dma_start3A_30, %dma_start3A_31, %dma_start3A_32] : memref<10x32x128xf32, #tpu.memory_space<vmem>> -> memref<1x32x128xf32, #tpu.memory_space<vmem>>
      %dma_start3A_34 = tpu.memref_squeeze %dma_start3A_33 : memref<1x32x128xf32, #tpu.memory_space<vmem>> -> memref<32x128xf32, #tpu.memory_space<vmem>>
      %dma_start3A_35 = arith.constant 0 : i32
      %dma_start3A_36 = tpu.memref_slice %arg8[%dma_start3A_29, %scan3A_8, %dma_start3A_35] : memref<10x49x32xi32, #tpu.memory_space<vmem>> -> memref<1x1x32xi32, #tpu.memory_space<vmem>>
      %dma_start3A_37 = tpu.memref_squeeze %dma_start3A_36 : memref<1x1x32xi32, #tpu.memory_space<vmem>> -> memref<32xi32, #tpu.memory_space<vmem>>
      %dma_start3A_38 = arith.constant 0 : i32
      %dma_start3A_39 = arith.constant 0 : i32
      %dma_start3A_40 = tpu.memref_slice %arg2[%dma_start3A_38, %dma_start3A_39] : memref<100000x128xf32, #tpu.memory_space<hbm>> -> memref<100000x128xf32, #tpu.memory_space<hbm>>
      tpu.enqueue_indirect_dma source(%dma_start3A_40 : memref<100000x128xf32, #tpu.memory_space<hbm>>) target(%dma_start3A_34 : memref<32x128xf32, #tpu.memory_space<vmem>>) offsets(%dma_start3A_37 : memref<32xi32, #tpu.memory_space<vmem>>) semaphore(%arg12 : memref<!tpu.dma_semaphore, #tpu.memory_space<semaphore_mem>>)
      %dma_start3A_41 = arith.constant 2 : i32
      %dma_start3A_42 = arith.constant 2 : i32
      %dma_start3A_43 = arith.constant 0 : i32
      %dma_start3A_44 = arith.constant 0 : i32
      %dma_start3A_45 = tpu.memref_slice %arg9[%dma_start3A_42, %dma_start3A_43, %dma_start3A_44] : memref<10x32x128xf32, #tpu.memory_space<vmem>> -> memref<1x32x128xf32, #tpu.memory_space<vmem>>
      %dma_start3A_46 = tpu.memref_squeeze %dma_start3A_45 : memref<1x32x128xf32, #tpu.memory_space<vmem>> -> memref<32x128xf32, #tpu.memory_space<vmem>>
      %dma_start3A_47 = arith.constant 0 : i32
      %dma_start3A_48 = tpu.memref_slice %arg8[%dma_start3A_41, %scan3A_8, %dma_start3A_47] : memref<10x49x32xi32, #tpu.memory_space<vmem>> -> memref<1x1x32xi32, #tpu.memory_space<vmem>>
      %dma_start3A_49 = tpu.memref_squeeze %dma_start3A_48 : memref<1x1x32xi32, #tpu.memory_space<vmem>> -> memref<32xi32, #tpu.memory_space<vmem>>
      %dma_start3A_50 = arith.constant 0 : i32
      %dma_start3A_51 = arith.constant 0 : i32
      %dma_start3A_52 = tpu.memref_slice %arg2[%dma_start3A_50, %dma_start3A_51] : memref<100000x128xf32, #tpu.memory_space<hbm>> -> memref<100000x128xf32, #tpu.memory_space<hbm>>
      tpu.enqueue_indirect_dma source(%dma_start3A_52 : memref<100000x128xf32, #tpu.memory_space<hbm>>) target(%dma_start3A_46 : memref<32x128xf32, #tpu.memory_space<vmem>>) offsets(%dma_start3A_49 : memref<32xi32, #tpu.memory_space<vmem>>) semaphore(%arg12 : memref<!tpu.dma_semaphore, #tpu.memory_space<semaphore_mem>>)
      %dma_start3A_53 = arith.constant 3 : i32
      %dma_start3A_54 = arith.constant 3 : i32
      %dma_start3A_55 = arith.constant 0 : i32
      %dma_start3A_56 = arith.constant 0 : i32
      %dma_start3A_57 = tpu.memref_slice %arg9[%dma_start3A_54, %dma_start3A_55, %dma_start3A_56] : memref<10x32x128xf32, #tpu.memory_space<vmem>> -> memref<1x32x128xf32, #tpu.memory_space<vmem>>
      %dma_start3A_58 = tpu.memref_squeeze %dma_start3A_57 : memref<1x32x128xf32, #tpu.memory_space<vmem>> -> memref<32x128xf32, #tpu.memory_space<vmem>>
      %dma_start3A_59 = arith.constant 0 : i32
      %dma_start3A_60 = tpu.memref_slice %arg8[%dma_start3A_53, %scan3A_8, %dma_start3A_59] : memref<10x49x32xi32, #tpu.memory_space<vmem>> -> memref<1x1x32xi32, #tpu.memory_space<vmem>>
      %dma_start3A_61 = tpu.memref_squeeze %dma_start3A_60 : memref<1x1x32xi32, #tpu.memory_space<vmem>> -> memref<32xi32, #tpu.memory_space<vmem>>
      %dma_start3A_62 = arith.constant 0 : i32
      %dma_start3A_63 = arith.constant 0 : i32
      %dma_start3A_64 = tpu.memref_slice %arg2[%dma_start3A_62, %dma_start3A_63] : memref<100000x128xf32, #tpu.memory_space<hbm>> -> memref<100000x128xf32, #tpu.memory_space<hbm>>
      tpu.enqueue_indirect_dma source(%dma_start3A_64 : memref<100000x128xf32, #tpu.memory_space<hbm>>) target(%dma_start3A_58 : memref<32x128xf32, #tpu.memory_space<vmem>>) offsets(%dma_start3A_61 : memref<32xi32, #tpu.memory_space<vmem>>) semaphore(%arg12 : memref<!tpu.dma_semaphore, #tpu.memory_space<semaphore_mem>>)
      %dma_start3A_65 = arith.constant 4 : i32
      %dma_start3A_66 = arith.constant 4 : i32
      %dma_start3A_67 = arith.constant 0 : i32
      %dma_start3A_68 = arith.constant 0 : i32
      %dma_start3A_69 = tpu.memref_slice %arg9[%dma_start3A_66, %dma_start3A_67, %dma_start3A_68] : memref<10x32x128xf32, #tpu.memory_space<vmem>> -> memref<1x32x128xf32, #tpu.memory_space<vmem>>
      %dma_start3A_70 = tpu.memref_squeeze %dma_start3A_69 : memref<1x32x128xf32, #tpu.memory_space<vmem>> -> memref<32x128xf32, #tpu.memory_space<vmem>>
      %dma_start3A_71 = arith.constant 0 : i32
      %dma_start3A_72 = tpu.memref_slice %arg8[%dma_start3A_65, %scan3A_8, %dma_start3A_71] : memref<10x49x32xi32, #tpu.memory_space<vmem>> -> memref<1x1x32xi32, #tpu.memory_space<vmem>>
      %dma_start3A_73 = tpu.memref_squeeze %dma_start3A_72 : memref<1x1x32xi32, #tpu.memory_space<vmem>> -> memref<32xi32, #tpu.memory_space<vmem>>
      %dma_start3A_74 = arith.constant 0 : i32
      %dma_start3A_75 = arith.constant 0 : i32
      %dma_start3A_76 = tpu.memref_slice %arg2[%dma_start3A_74, %dma_start3A_75] : memref<100000x128xf32, #tpu.memory_space<hbm>> -> memref<100000x128xf32, #tpu.memory_space<hbm>>
      tpu.enqueue_indirect_dma source(%dma_start3A_76 : memref<100000x128xf32, #tpu.memory_space<hbm>>) target(%dma_start3A_70 : memref<32x128xf32, #tpu.memory_space<vmem>>) offsets(%dma_start3A_73 : memref<32xi32, #tpu.memory_space<vmem>>) semaphore(%arg12 : memref<!tpu.dma_semaphore, #tpu.memory_space<semaphore_mem>>)
      %dma_start3A_77 = arith.constant 5 : i32
      %dma_start3A_78 = arith.constant 5 : i32
      %dma_start3A_79 = arith.constant 0 : i32
      %dma_start3A_80 = arith.constant 0 : i32
      %dma_start3A_81 = tpu.memref_slice %arg9[%dma_start3A_78, %dma_start3A_79, %dma_start3A_80] : memref<10x32x128xf32, #tpu.memory_space<vmem>> -> memref<1x32x128xf32, #tpu.memory_space<vmem>>
      %dma_start3A_82 = tpu.memref_squeeze %dma_start3A_81 : memref<1x32x128xf32, #tpu.memory_space<vmem>> -> memref<32x128xf32, #tpu.memory_space<vmem>>
      %dma_start3A_83 = arith.constant 0 : i32
      %dma_start3A_84 = tpu.memref_slice %arg8[%dma_start3A_77, %scan3A_8, %dma_start3A_83] : memref<10x49x32xi32, #tpu.memory_space<vmem>> -> memref<1x1x32xi32, #tpu.memory_space<vmem>>
      %dma_start3A_85 = tpu.memref_squeeze %dma_start3A_84 : memref<1x1x32xi32, #tpu.memory_space<vmem>> -> memref<32xi32, #tpu.memory_space<vmem>>
      %dma_start3A_86 = arith.constant 0 : i32
      %dma_start3A_87 = arith.constant 0 : i32
      %dma_start3A_88 = tpu.memref_slice %arg2[%dma_start3A_86, %dma_start3A_87] : memref<100000x128xf32, #tpu.memory_space<hbm>> -> memref<100000x128xf32, #tpu.memory_space<hbm>>
      tpu.enqueue_indirect_dma source(%dma_start3A_88 : memref<100000x128xf32, #tpu.memory_space<hbm>>) target(%dma_start3A_82 : memref<32x128xf32, #tpu.memory_space<vmem>>) offsets(%dma_start3A_85 : memref<32xi32, #tpu.memory_space<vmem>>) semaphore(%arg12 : memref<!tpu.dma_semaphore, #tpu.memory_space<semaphore_mem>>)
      %dma_start3A_89 = arith.constant 6 : i32
      %dma_start3A_90 = arith.constant 6 : i32
      %dma_start3A_91 = arith.constant 0 : i32
      %dma_start3A_92 = arith.constant 0 : i32
      %dma_start3A_93 = tpu.memref_slice %arg9[%dma_start3A_90, %dma_start3A_91, %dma_start3A_92] : memref<10x32x128xf32, #tpu.memory_space<vmem>> -> memref<1x32x128xf32, #tpu.memory_space<vmem>>
      %dma_start3A_94 = tpu.memref_squeeze %dma_start3A_93 : memref<1x32x128xf32, #tpu.memory_space<vmem>> -> memref<32x128xf32, #tpu.memory_space<vmem>>
      %dma_start3A_95 = arith.constant 0 : i32
      %dma_start3A_96 = tpu.memref_slice %arg8[%dma_start3A_89, %scan3A_8, %dma_start3A_95] : memref<10x49x32xi32, #tpu.memory_space<vmem>> -> memref<1x1x32xi32, #tpu.memory_space<vmem>>
      %dma_start3A_97 = tpu.memref_squeeze %dma_start3A_96 : memref<1x1x32xi32, #tpu.memory_space<vmem>> -> memref<32xi32, #tpu.memory_space<vmem>>
      %dma_start3A_98 = arith.constant 0 : i32
      %dma_start3A_99 = arith.constant 0 : i32
      %dma_start3A_100 = tpu.memref_slice %arg2[%dma_start3A_98, %dma_start3A_99] : memref<100000x128xf32, #tpu.memory_space<hbm>> -> memref<100000x128xf32, #tpu.memory_space<hbm>>
      tpu.enqueue_indirect_dma source(%dma_start3A_100 : memref<100000x128xf32, #tpu.memory_space<hbm>>) target(%dma_start3A_94 : memref<32x128xf32, #tpu.memory_space<vmem>>) offsets(%dma_start3A_97 : memref<32xi32, #tpu.memory_space<vmem>>) semaphore(%arg12 : memref<!tpu.dma_semaphore, #tpu.memory_space<semaphore_mem>>)
      %dma_start3A_101 = arith.constant 7 : i32
      %dma_start3A_102 = arith.constant 7 : i32
      %dma_start3A_103 = arith.constant 0 : i32
      %dma_start3A_104 = arith.constant 0 : i32
      %dma_start3A_105 = tpu.memref_slice %arg9[%dma_start3A_102, %dma_start3A_103, %dma_start3A_104] : memref<10x32x128xf32, #tpu.memory_space<vmem>> -> memref<1x32x128xf32, #tpu.memory_space<vmem>>
      %dma_start3A_106 = tpu.memref_squeeze %dma_start3A_105 : memref<1x32x128xf32, #tpu.memory_space<vmem>> -> memref<32x128xf32, #tpu.memory_space<vmem>>
      %dma_start3A_107 = arith.constant 0 : i32
      %dma_start3A_108 = tpu.memref_slice %arg8[%dma_start3A_101, %scan3A_8, %dma_start3A_107] : memref<10x49x32xi32, #tpu.memory_space<vmem>> -> memref<1x1x32xi32, #tpu.memory_space<vmem>>
      %dma_start3A_109 = tpu.memref_squeeze %dma_start3A_108 : memref<1x1x32xi32, #tpu.memory_space<vmem>> -> memref<32xi32, #tpu.memory_space<vmem>>
      %dma_start3A_110 = arith.constant 0 : i32
      %dma_start3A_111 = arith.constant 0 : i32
      %dma_start3A_112 = tpu.memref_slice %arg2[%dma_start3A_110, %dma_start3A_111] : memref<100000x128xf32, #tpu.memory_space<hbm>> -> memref<100000x128xf32, #tpu.memory_space<hbm>>
      tpu.enqueue_indirect_dma source(%dma_start3A_112 : memref<100000x128xf32, #tpu.memory_space<hbm>>) target(%dma_start3A_106 : memref<32x128xf32, #tpu.memory_space<vmem>>) offsets(%dma_start3A_109 : memref<32xi32, #tpu.memory_space<vmem>>) semaphore(%arg12 : memref<!tpu.dma_semaphore, #tpu.memory_space<semaphore_mem>>)
      %dma_start3A_113 = arith.constant 8 : i32
      %dma_start3A_114 = arith.constant 8 : i32
      %dma_start3A_115 = arith.constant 0 : i32
      %dma_start3A_116 = arith.constant 0 : i32
      %dma_start3A_117 = tpu.memref_slice %arg9[%dma_start3A_114, %dma_start3A_115, %dma_start3A_116] : memref<10x32x128xf32, #tpu.memory_space<vmem>> -> memref<1x32x128xf32, #tpu.memory_space<vmem>>
      %dma_start3A_118 = tpu.memref_squeeze %dma_start3A_117 : memref<1x32x128xf32, #tpu.memory_space<vmem>> -> memref<32x128xf32, #tpu.memory_space<vmem>>
      %dma_start3A_119 = arith.constant 0 : i32
      %dma_start3A_120 = tpu.memref_slice %arg8[%dma_start3A_113, %scan3A_8, %dma_start3A_119] : memref<10x49x32xi32, #tpu.memory_space<vmem>> -> memref<1x1x32xi32, #tpu.memory_space<vmem>>
      %dma_start3A_121 = tpu.memref_squeeze %dma_start3A_120 : memref<1x1x32xi32, #tpu.memory_space<vmem>> -> memref<32xi32, #tpu.memory_space<vmem>>
      %dma_start3A_122 = arith.constant 0 : i32
      %dma_start3A_123 = arith.constant 0 : i32
      %dma_start3A_124 = tpu.memref_slice %arg2[%dma_start3A_122, %dma_start3A_123] : memref<100000x128xf32, #tpu.memory_space<hbm>> -> memref<100000x128xf32, #tpu.memory_space<hbm>>
      tpu.enqueue_indirect_dma source(%dma_start3A_124 : memref<100000x128xf32, #tpu.memory_space<hbm>>) target(%dma_start3A_118 : memref<32x128xf32, #tpu.memory_space<vmem>>) offsets(%dma_start3A_121 : memref<32xi32, #tpu.memory_space<vmem>>) semaphore(%arg12 : memref<!tpu.dma_semaphore, #tpu.memory_space<semaphore_mem>>)
      %dma_start3A_125 = arith.constant 9 : i32
      %dma_start3A_126 = arith.constant 9 : i32
      %dma_start3A_127 = arith.constant 0 : i32
      %dma_start3A_128 = arith.constant 0 : i32
      %dma_start3A_129 = tpu.memref_slice %arg9[%dma_start3A_126, %dma_start3A_127, %dma_start3A_128] : memref<10x32x128xf32, #tpu.memory_space<vmem>> -> memref<1x32x128xf32, #tpu.memory_space<vmem>>
      %dma_start3A_130 = tpu.memref_squeeze %dma_start3A_129 : memref<1x32x128xf32, #tpu.memory_space<vmem>> -> memref<32x128xf32, #tpu.memory_space<vmem>>
      %dma_start3A_131 = arith.constant 0 : i32
      %dma_start3A_132 = tpu.memref_slice %arg8[%dma_start3A_125, %scan3A_8, %dma_start3A_131] : memref<10x49x32xi32, #tpu.memory_space<vmem>> -> memref<1x1x32xi32, #tpu.memory_space<vmem>>
      %dma_start3A_133 = tpu.memref_squeeze %dma_start3A_132 : memref<1x1x32xi32, #tpu.memory_space<vmem>> -> memref<32xi32, #tpu.memory_space<vmem>>
      %dma_start3A_134 = arith.constant 0 : i32
      %dma_start3A_135 = arith.constant 0 : i32
      %dma_start3A_136 = tpu.memref_slice %arg2[%dma_start3A_134, %dma_start3A_135] : memref<100000x128xf32, #tpu.memory_space<hbm>> -> memref<100000x128xf32, #tpu.memory_space<hbm>>
      tpu.enqueue_indirect_dma source(%dma_start3A_136 : memref<100000x128xf32, #tpu.memory_space<hbm>>) target(%dma_start3A_130 : memref<32x128xf32, #tpu.memory_space<vmem>>) offsets(%dma_start3A_133 : memref<32xi32, #tpu.memory_space<vmem>>) semaphore(%arg12 : memref<!tpu.dma_semaphore, #tpu.memory_space<semaphore_mem>>)
      %dma_wait3A = arith.constant 0 : i32
      %dma_wait3A_137 = tpu.memref_slice %arg7[%scan3A_8, %dma_wait3A] : memref<49x32xi32, #tpu.memory_space<vmem>> -> memref<1x32xi32, #tpu.memory_space<vmem>>
      %dma_wait3A_138 = tpu.memref_squeeze %dma_wait3A_137 : memref<1x32xi32, #tpu.memory_space<vmem>> -> memref<32xi32, #tpu.memory_space<vmem>>
      %dma_wait3A_139 = arith.constant 0 : i32
      %dma_wait3A_140 = arith.constant 0 : i32
      %dma_wait3A_141 = tpu.memref_slice %arg2[%dma_wait3A_139, %dma_wait3A_140] : memref<100000x128xf32, #tpu.memory_space<hbm>> -> memref<100000x128xf32, #tpu.memory_space<hbm>>
      tpu.wait_indirect_dma semaphore(%arg12 : memref<!tpu.dma_semaphore, #tpu.memory_space<semaphore_mem>>) src(%dma_wait3A_141 : memref<100000x128xf32, #tpu.memory_space<hbm>>) dst(%arg10 : memref<32x128xf32, #tpu.memory_space<vmem>>)
      %dma_wait3A_142 = arith.constant 0 : i32
      %dma_wait3A_143 = arith.constant 0 : i32
      %dma_wait3A_144 = arith.constant 0 : i32
      %dma_wait3A_145 = arith.constant 0 : i32
      %dma_wait3A_146 = tpu.memref_slice %arg9[%dma_wait3A_143, %dma_wait3A_144, %dma_wait3A_145] : memref<10x32x128xf32, #tpu.memory_space<vmem>> -> memref<1x32x128xf32, #tpu.memory_space<vmem>>
      %dma_wait3A_147 = tpu.memref_squeeze %dma_wait3A_146 : memref<1x32x128xf32, #tpu.memory_space<vmem>> -> memref<32x128xf32, #tpu.memory_space<vmem>>
      %dma_wait3A_148 = arith.constant 0 : i32
      %dma_wait3A_149 = tpu.memref_slice %arg8[%dma_wait3A_142, %scan3A_8, %dma_wait3A_148] : memref<10x49x32xi32, #tpu.memory_space<vmem>> -> memref<1x1x32xi32, #tpu.memory_space<vmem>>
      %dma_wait3A_150 = tpu.memref_squeeze %dma_wait3A_149 : memref<1x1x32xi32, #tpu.memory_space<vmem>> -> memref<32xi32, #tpu.memory_space<vmem>>
      %dma_wait3A_151 = arith.constant 0 : i32
      %dma_wait3A_152 = arith.constant 0 : i32
      %dma_wait3A_153 = tpu.memref_slice %arg2[%dma_wait3A_151, %dma_wait3A_152] : memref<100000x128xf32, #tpu.memory_space<hbm>> -> memref<100000x128xf32, #tpu.memory_space<hbm>>
      tpu.wait_indirect_dma semaphore(%arg12 : memref<!tpu.dma_semaphore, #tpu.memory_space<semaphore_mem>>) src(%dma_wait3A_153 : memref<100000x128xf32, #tpu.memory_space<hbm>>) dst(%dma_wait3A_147 : memref<32x128xf32, #tpu.memory_space<vmem>>)
      %dma_wait3A_154 = arith.constant 1 : i32
      %dma_wait3A_155 = arith.constant 1 : i32
      %dma_wait3A_156 = arith.constant 0 : i32
      %dma_wait3A_157 = arith.constant 0 : i32
      %dma_wait3A_158 = tpu.memref_slice %arg9[%dma_wait3A_155, %dma_wait3A_156, %dma_wait3A_157] : memref<10x32x128xf32, #tpu.memory_space<vmem>> -> memref<1x32x128xf32, #tpu.memory_space<vmem>>
      %dma_wait3A_159 = tpu.memref_squeeze %dma_wait3A_158 : memref<1x32x128xf32, #tpu.memory_space<vmem>> -> memref<32x128xf32, #tpu.memory_space<vmem>>
      %dma_wait3A_160 = arith.constant 0 : i32
      %dma_wait3A_161 = tpu.memref_slice %arg8[%dma_wait3A_154, %scan3A_8, %dma_wait3A_160] : memref<10x49x32xi32, #tpu.memory_space<vmem>> -> memref<1x1x32xi32, #tpu.memory_space<vmem>>
      %dma_wait3A_162 = tpu.memref_squeeze %dma_wait3A_161 : memref<1x1x32xi32, #tpu.memory_space<vmem>> -> memref<32xi32, #tpu.memory_space<vmem>>
      %dma_wait3A_163 = arith.constant 0 : i32
      %dma_wait3A_164 = arith.constant 0 : i32
      %dma_wait3A_165 = tpu.memref_slice %arg2[%dma_wait3A_163, %dma_wait3A_164] : memref<100000x128xf32, #tpu.memory_space<hbm>> -> memref<100000x128xf32, #tpu.memory_space<hbm>>
      tpu.wait_indirect_dma semaphore(%arg12 : memref<!tpu.dma_semaphore, #tpu.memory_space<semaphore_mem>>) src(%dma_wait3A_165 : memref<100000x128xf32, #tpu.memory_space<hbm>>) dst(%dma_wait3A_159 : memref<32x128xf32, #tpu.memory_space<vmem>>)
      %dma_wait3A_166 = arith.constant 2 : i32
      %dma_wait3A_167 = arith.constant 2 : i32
      %dma_wait3A_168 = arith.constant 0 : i32
      %dma_wait3A_169 = arith.constant 0 : i32
      %dma_wait3A_170 = tpu.memref_slice %arg9[%dma_wait3A_167, %dma_wait3A_168, %dma_wait3A_169] : memref<10x32x128xf32, #tpu.memory_space<vmem>> -> memref<1x32x128xf32, #tpu.memory_space<vmem>>
      %dma_wait3A_171 = tpu.memref_squeeze %dma_wait3A_170 : memref<1x32x128xf32, #tpu.memory_space<vmem>> -> memref<32x128xf32, #tpu.memory_space<vmem>>
      %dma_wait3A_172 = arith.constant 0 : i32
      %dma_wait3A_173 = tpu.memref_slice %arg8[%dma_wait3A_166, %scan3A_8, %dma_wait3A_172] : memref<10x49x32xi32, #tpu.memory_space<vmem>> -> memref<1x1x32xi32, #tpu.memory_space<vmem>>
      %dma_wait3A_174 = tpu.memref_squeeze %dma_wait3A_173 : memref<1x1x32xi32, #tpu.memory_space<vmem>> -> memref<32xi32, #tpu.memory_space<vmem>>
      %dma_wait3A_175 = arith.constant 0 : i32
      %dma_wait3A_176 = arith.constant 0 : i32
      %dma_wait3A_177 = tpu.memref_slice %arg2[%dma_wait3A_175, %dma_wait3A_176] : memref<100000x128xf32, #tpu.memory_space<hbm>> -> memref<100000x128xf32, #tpu.memory_space<hbm>>
      tpu.wait_indirect_dma semaphore(%arg12 : memref<!tpu.dma_semaphore, #tpu.memory_space<semaphore_mem>>) src(%dma_wait3A_177 : memref<100000x128xf32, #tpu.memory_space<hbm>>) dst(%dma_wait3A_171 : memref<32x128xf32, #tpu.memory_space<vmem>>)
      %dma_wait3A_178 = arith.constant 3 : i32
      %dma_wait3A_179 = arith.constant 3 : i32
      %dma_wait3A_180 = arith.constant 0 : i32
      %dma_wait3A_181 = arith.constant 0 : i32
      %dma_wait3A_182 = tpu.memref_slice %arg9[%dma_wait3A_179, %dma_wait3A_180, %dma_wait3A_181] : memref<10x32x128xf32, #tpu.memory_space<vmem>> -> memref<1x32x128xf32, #tpu.memory_space<vmem>>
      %dma_wait3A_183 = tpu.memref_squeeze %dma_wait3A_182 : memref<1x32x128xf32, #tpu.memory_space<vmem>> -> memref<32x128xf32, #tpu.memory_space<vmem>>
      %dma_wait3A_184 = arith.constant 0 : i32
      %dma_wait3A_185 = tpu.memref_slice %arg8[%dma_wait3A_178, %scan3A_8, %dma_wait3A_184] : memref<10x49x32xi32, #tpu.memory_space<vmem>> -> memref<1x1x32xi32, #tpu.memory_space<vmem>>
      %dma_wait3A_186 = tpu.memref_squeeze %dma_wait3A_185 : memref<1x1x32xi32, #tpu.memory_space<vmem>> -> memref<32xi32, #tpu.memory_space<vmem>>
      %dma_wait3A_187 = arith.constant 0 : i32
      %dma_wait3A_188 = arith.constant 0 : i32
      %dma_wait3A_189 = tpu.memref_slice %arg2[%dma_wait3A_187, %dma_wait3A_188] : memref<100000x128xf32, #tpu.memory_space<hbm>> -> memref<100000x128xf32, #tpu.memory_space<hbm>>
      tpu.wait_indirect_dma semaphore(%arg12 : memref<!tpu.dma_semaphore, #tpu.memory_space<semaphore_mem>>) src(%dma_wait3A_189 : memref<100000x128xf32, #tpu.memory_space<hbm>>) dst(%dma_wait3A_183 : memref<32x128xf32, #tpu.memory_space<vmem>>)
      %dma_wait3A_190 = arith.constant 4 : i32
      %dma_wait3A_191 = arith.constant 4 : i32
      %dma_wait3A_192 = arith.constant 0 : i32
      %dma_wait3A_193 = arith.constant 0 : i32
      %dma_wait3A_194 = tpu.memref_slice %arg9[%dma_wait3A_191, %dma_wait3A_192, %dma_wait3A_193] : memref<10x32x128xf32, #tpu.memory_space<vmem>> -> memref<1x32x128xf32, #tpu.memory_space<vmem>>
      %dma_wait3A_195 = tpu.memref_squeeze %dma_wait3A_194 : memref<1x32x128xf32, #tpu.memory_space<vmem>> -> memref<32x128xf32, #tpu.memory_space<vmem>>
      %dma_wait3A_196 = arith.constant 0 : i32
      %dma_wait3A_197 = tpu.memref_slice %arg8[%dma_wait3A_190, %scan3A_8, %dma_wait3A_196] : memref<10x49x32xi32, #tpu.memory_space<vmem>> -> memref<1x1x32xi32, #tpu.memory_space<vmem>>
      %dma_wait3A_198 = tpu.memref_squeeze %dma_wait3A_197 : memref<1x1x32xi32, #tpu.memory_space<vmem>> -> memref<32xi32, #tpu.memory_space<vmem>>
      %dma_wait3A_199 = arith.constant 0 : i32
      %dma_wait3A_200 = arith.constant 0 : i32
      %dma_wait3A_201 = tpu.memref_slice %arg2[%dma_wait3A_199, %dma_wait3A_200] : memref<100000x128xf32, #tpu.memory_space<hbm>> -> memref<100000x128xf32, #tpu.memory_space<hbm>>
      tpu.wait_indirect_dma semaphore(%arg12 : memref<!tpu.dma_semaphore, #tpu.memory_space<semaphore_mem>>) src(%dma_wait3A_201 : memref<100000x128xf32, #tpu.memory_space<hbm>>) dst(%dma_wait3A_195 : memref<32x128xf32, #tpu.memory_space<vmem>>)
      %dma_wait3A_202 = arith.constant 5 : i32
      %dma_wait3A_203 = arith.constant 5 : i32
      %dma_wait3A_204 = arith.constant 0 : i32
      %dma_wait3A_205 = arith.constant 0 : i32
      %dma_wait3A_206 = tpu.memref_slice %arg9[%dma_wait3A_203, %dma_wait3A_204, %dma_wait3A_205] : memref<10x32x128xf32, #tpu.memory_space<vmem>> -> memref<1x32x128xf32, #tpu.memory_space<vmem>>
      %dma_wait3A_207 = tpu.memref_squeeze %dma_wait3A_206 : memref<1x32x128xf32, #tpu.memory_space<vmem>> -> memref<32x128xf32, #tpu.memory_space<vmem>>
      %dma_wait3A_208 = arith.constant 0 : i32
      %dma_wait3A_209 = tpu.memref_slice %arg8[%dma_wait3A_202, %scan3A_8, %dma_wait3A_208] : memref<10x49x32xi32, #tpu.memory_space<vmem>> -> memref<1x1x32xi32, #tpu.memory_space<vmem>>
      %dma_wait3A_210 = tpu.memref_squeeze %dma_wait3A_209 : memref<1x1x32xi32, #tpu.memory_space<vmem>> -> memref<32xi32, #tpu.memory_space<vmem>>
      %dma_wait3A_211 = arith.constant 0 : i32
      %dma_wait3A_212 = arith.constant 0 : i32
      %dma_wait3A_213 = tpu.memref_slice %arg2[%dma_wait3A_211, %dma_wait3A_212] : memref<100000x128xf32, #tpu.memory_space<hbm>> -> memref<100000x128xf32, #tpu.memory_space<hbm>>
      tpu.wait_indirect_dma semaphore(%arg12 : memref<!tpu.dma_semaphore, #tpu.memory_space<semaphore_mem>>) src(%dma_wait3A_213 : memref<100000x128xf32, #tpu.memory_space<hbm>>) dst(%dma_wait3A_207 : memref<32x128xf32, #tpu.memory_space<vmem>>)
      %dma_wait3A_214 = arith.constant 6 : i32
      %dma_wait3A_215 = arith.constant 6 : i32
      %dma_wait3A_216 = arith.constant 0 : i32
      %dma_wait3A_217 = arith.constant 0 : i32
      %dma_wait3A_218 = tpu.memref_slice %arg9[%dma_wait3A_215, %dma_wait3A_216, %dma_wait3A_217] : memref<10x32x128xf32, #tpu.memory_space<vmem>> -> memref<1x32x128xf32, #tpu.memory_space<vmem>>
      %dma_wait3A_219 = tpu.memref_squeeze %dma_wait3A_218 : memref<1x32x128xf32, #tpu.memory_space<vmem>> -> memref<32x128xf32, #tpu.memory_space<vmem>>
      %dma_wait3A_220 = arith.constant 0 : i32
      %dma_wait3A_221 = tpu.memref_slice %arg8[%dma_wait3A_214, %scan3A_8, %dma_wait3A_220] : memref<10x49x32xi32, #tpu.memory_space<vmem>> -> memref<1x1x32xi32, #tpu.memory_space<vmem>>
      %dma_wait3A_222 = tpu.memref_squeeze %dma_wait3A_221 : memref<1x1x32xi32, #tpu.memory_space<vmem>> -> memref<32xi32, #tpu.memory_space<vmem>>
      %dma_wait3A_223 = arith.constant 0 : i32
      %dma_wait3A_224 = arith.constant 0 : i32
      %dma_wait3A_225 = tpu.memref_slice %arg2[%dma_wait3A_223, %dma_wait3A_224] : memref<100000x128xf32, #tpu.memory_space<hbm>> -> memref<100000x128xf32, #tpu.memory_space<hbm>>
      tpu.wait_indirect_dma semaphore(%arg12 : memref<!tpu.dma_semaphore, #tpu.memory_space<semaphore_mem>>) src(%dma_wait3A_225 : memref<100000x128xf32, #tpu.memory_space<hbm>>) dst(%dma_wait3A_219 : memref<32x128xf32, #tpu.memory_space<vmem>>)
      %dma_wait3A_226 = arith.constant 7 : i32
      %dma_wait3A_227 = arith.constant 7 : i32
      %dma_wait3A_228 = arith.constant 0 : i32
      %dma_wait3A_229 = arith.constant 0 : i32
      %dma_wait3A_230 = tpu.memref_slice %arg9[%dma_wait3A_227, %dma_wait3A_228, %dma_wait3A_229] : memref<10x32x128xf32, #tpu.memory_space<vmem>> -> memref<1x32x128xf32, #tpu.memory_space<vmem>>
      %dma_wait3A_231 = tpu.memref_squeeze %dma_wait3A_230 : memref<1x32x128xf32, #tpu.memory_space<vmem>> -> memref<32x128xf32, #tpu.memory_space<vmem>>
      %dma_wait3A_232 = arith.constant 0 : i32
      %dma_wait3A_233 = tpu.memref_slice %arg8[%dma_wait3A_226, %scan3A_8, %dma_wait3A_232] : memref<10x49x32xi32, #tpu.memory_space<vmem>> -> memref<1x1x32xi32, #tpu.memory_space<vmem>>
      %dma_wait3A_234 = tpu.memref_squeeze %dma_wait3A_233 : memref<1x1x32xi32, #tpu.memory_space<vmem>> -> memref<32xi32, #tpu.memory_space<vmem>>
      %dma_wait3A_235 = arith.constant 0 : i32
      %dma_wait3A_236 = arith.constant 0 : i32
      %dma_wait3A_237 = tpu.memref_slice %arg2[%dma_wait3A_235, %dma_wait3A_236] : memref<100000x128xf32, #tpu.memory_space<hbm>> -> memref<100000x128xf32, #tpu.memory_space<hbm>>
      tpu.wait_indirect_dma semaphore(%arg12 : memref<!tpu.dma_semaphore, #tpu.memory_space<semaphore_mem>>) src(%dma_wait3A_237 : memref<100000x128xf32, #tpu.memory_space<hbm>>) dst(%dma_wait3A_231 : memref<32x128xf32, #tpu.memory_space<vmem>>)
      %dma_wait3A_238 = arith.constant 8 : i32
      %dma_wait3A_239 = arith.constant 8 : i32
      %dma_wait3A_240 = arith.constant 0 : i32
      %dma_wait3A_241 = arith.constant 0 : i32
      %dma_wait3A_242 = tpu.memref_slice %arg9[%dma_wait3A_239, %dma_wait3A_240, %dma_wait3A_241] : memref<10x32x128xf32, #tpu.memory_space<vmem>> -> memref<1x32x128xf32, #tpu.memory_space<vmem>>
      %dma_wait3A_243 = tpu.memref_squeeze %dma_wait3A_242 : memref<1x32x128xf32, #tpu.memory_space<vmem>> -> memref<32x128xf32, #tpu.memory_space<vmem>>
      %dma_wait3A_244 = arith.constant 0 : i32
      %dma_wait3A_245 = tpu.memref_slice %arg8[%dma_wait3A_238, %scan3A_8, %dma_wait3A_244] : memref<10x49x32xi32, #tpu.memory_space<vmem>> -> memref<1x1x32xi32, #tpu.memory_space<vmem>>
      %dma_wait3A_246 = tpu.memref_squeeze %dma_wait3A_245 : memref<1x1x32xi32, #tpu.memory_space<vmem>> -> memref<32xi32, #tpu.memory_space<vmem>>
      %dma_wait3A_247 = arith.constant 0 : i32
      %dma_wait3A_248 = arith.constant 0 : i32
      %dma_wait3A_249 = tpu.memref_slice %arg2[%dma_wait3A_247, %dma_wait3A_248] : memref<100000x128xf32, #tpu.memory_space<hbm>> -> memref<100000x128xf32, #tpu.memory_space<hbm>>
      tpu.wait_indirect_dma semaphore(%arg12 : memref<!tpu.dma_semaphore, #tpu.memory_space<semaphore_mem>>) src(%dma_wait3A_249 : memref<100000x128xf32, #tpu.memory_space<hbm>>) dst(%dma_wait3A_243 : memref<32x128xf32, #tpu.memory_space<vmem>>)
      %dma_wait3A_250 = arith.constant 9 : i32
      %dma_wait3A_251 = arith.constant 9 : i32
      %dma_wait3A_252 = arith.constant 0 : i32
      %dma_wait3A_253 = arith.constant 0 : i32
      %dma_wait3A_254 = tpu.memref_slice %arg9[%dma_wait3A_251, %dma_wait3A_252, %dma_wait3A_253] : memref<10x32x128xf32, #tpu.memory_space<vmem>> -> memref<1x32x128xf32, #tpu.memory_space<vmem>>
      %dma_wait3A_255 = tpu.memref_squeeze %dma_wait3A_254 : memref<1x32x128xf32, #tpu.memory_space<vmem>> -> memref<32x128xf32, #tpu.memory_space<vmem>>
      %dma_wait3A_256 = arith.constant 0 : i32
      %dma_wait3A_257 = tpu.memref_slice %arg8[%dma_wait3A_250, %scan3A_8, %dma_wait3A_256] : memref<10x49x32xi32, #tpu.memory_space<vmem>> -> memref<1x1x32xi32, #tpu.memory_space<vmem>>
      %dma_wait3A_258 = tpu.memref_squeeze %dma_wait3A_257 : memref<1x1x32xi32, #tpu.memory_space<vmem>> -> memref<32xi32, #tpu.memory_space<vmem>>
      %dma_wait3A_259 = arith.constant 0 : i32
      %dma_wait3A_260 = arith.constant 0 : i32
      %dma_wait3A_261 = tpu.memref_slice %arg2[%dma_wait3A_259, %dma_wait3A_260] : memref<100000x128xf32, #tpu.memory_space<hbm>> -> memref<100000x128xf32, #tpu.memory_space<hbm>>
      tpu.wait_indirect_dma semaphore(%arg12 : memref<!tpu.dma_semaphore, #tpu.memory_space<semaphore_mem>>) src(%dma_wait3A_261 : memref<100000x128xf32, #tpu.memory_space<hbm>>) dst(%dma_wait3A_255 : memref<32x128xf32, #tpu.memory_space<vmem>>)
      %scan3A_262 = arith.constant 0 : i32
      %scan3A_263 = arith.constant 0 : i32
      %scan3A_264 = arith.constant 32 : i32
      %scan3A_265 = arith.addi %scan3A_263, %scan3A_264 : i32
      %scan3A_266 = arith.constant 1 : i32
      scf.for %scan3A_284 = %scan3A_263 to %scan3A_265 step %scan3A_266  : i32 {
        %get3A = arith.constant 0 : i32
        %get3A_285 = arith.index_cast %get3A : i32 to index
        %get3A_286 = arith.index_cast %scan3A_284 : i32 to index
        %get3A_287 = arith.constant 0 : index
        %get3A_288 = tpu.vector_load %arg9[%get3A_285, %get3A_286, %get3A_287] {strides = array<i32>} : memref<10x32x128xf32, #tpu.memory_space<vmem>>, vector<1x1x16xf32>,
        %get3A_289 = vector.shape_cast %get3A_288 : vector<1x1x16xf32> to vector<16xf32>
        %get3A_290 = arith.constant 1 : i32
        %get3A_291 = arith.index_cast %get3A_290 : i32 to index
        %get3A_292 = arith.index_cast %scan3A_284 : i32 to index
        %get3A_293 = arith.constant 0 : index
        %get3A_294 = tpu.vector_load %arg9[%get3A_291, %get3A_292, %get3A_293] {strides = array<i32>} : memref<10x32x128xf32, #tpu.memory_space<vmem>>, vector<1x1x16xf32>,
        %get3A_295 = vector.shape_cast %get3A_294 : vector<1x1x16xf32> to vector<16xf32>
        %add3A_296 = arith.addf %get3A_289, %get3A_295 : vector<16xf32>
        %get3A_297 = arith.constant 2 : i32
        %get3A_298 = arith.index_cast %get3A_297 : i32 to index
        %get3A_299 = arith.index_cast %scan3A_284 : i32 to index
        %get3A_300 = arith.constant 0 : index
        %get3A_301 = tpu.vector_load %arg9[%get3A_298, %get3A_299, %get3A_300] {strides = array<i32>} : memref<10x32x128xf32, #tpu.memory_space<vmem>>, vector<1x1x16xf32>,
        %get3A_302 = vector.shape_cast %get3A_301 : vector<1x1x16xf32> to vector<16xf32>
        %add3A_303 = arith.addf %add3A_296, %get3A_302 : vector<16xf32>
        %get3A_304 = arith.constant 3 : i32
        %get3A_305 = arith.index_cast %get3A_304 : i32 to index
        %get3A_306 = arith.index_cast %scan3A_284 : i32 to index
        %get3A_307 = arith.constant 0 : index
        %get3A_308 = tpu.vector_load %arg9[%get3A_305, %get3A_306, %get3A_307] {strides = array<i32>} : memref<10x32x128xf32, #tpu.memory_space<vmem>>, vector<1x1x16xf32>,
        %get3A_309 = vector.shape_cast %get3A_308 : vector<1x1x16xf32> to vector<16xf32>
        %add3A_310 = arith.addf %add3A_303, %get3A_309 : vector<16xf32>
        %get3A_311 = arith.constant 4 : i32
        %get3A_312 = arith.index_cast %get3A_311 : i32 to index
        %get3A_313 = arith.index_cast %scan3A_284 : i32 to index
        %get3A_314 = arith.constant 0 : index
        %get3A_315 = tpu.vector_load %arg9[%get3A_312, %get3A_313, %get3A_314] {strides = array<i32>} : memref<10x32x128xf32, #tpu.memory_space<vmem>>, vector<1x1x16xf32>,
        %get3A_316 = vector.shape_cast %get3A_315 : vector<1x1x16xf32> to vector<16xf32>
        %add3A_317 = arith.addf %add3A_310, %get3A_316 : vector<16xf32>
        %get3A_318 = arith.constant 5 : i32
        %get3A_319 = arith.index_cast %get3A_318 : i32 to index
        %get3A_320 = arith.index_cast %scan3A_284 : i32 to index
        %get3A_321 = arith.constant 0 : index
        %get3A_322 = tpu.vector_load %arg9[%get3A_319, %get3A_320, %get3A_321] {strides = array<i32>} : memref<10x32x128xf32, #tpu.memory_space<vmem>>, vector<1x1x16xf32>,
        %get3A_323 = vector.shape_cast %get3A_322 : vector<1x1x16xf32> to vector<16xf32>
        %add3A_324 = arith.addf %add3A_317, %get3A_323 : vector<16xf32>
        %get3A_325 = arith.constant 6 : i32
        %get3A_326 = arith.index_cast %get3A_325 : i32 to index
        %get3A_327 = arith.index_cast %scan3A_284 : i32 to index
        %get3A_328 = arith.constant 0 : index
        %get3A_329 = tpu.vector_load %arg9[%get3A_326, %get3A_327, %get3A_328] {strides = array<i32>} : memref<10x32x128xf32, #tpu.memory_space<vmem>>, vector<1x1x16xf32>,
        %get3A_330 = vector.shape_cast %get3A_329 : vector<1x1x16xf32> to vector<16xf32>
        %add3A_331 = arith.addf %add3A_324, %get3A_330 : vector<16xf32>
        %get3A_332 = arith.constant 7 : i32
        %get3A_333 = arith.index_cast %get3A_332 : i32 to index
        %get3A_334 = arith.index_cast %scan3A_284 : i32 to index
        %get3A_335 = arith.constant 0 : index
        %get3A_336 = tpu.vector_load %arg9[%get3A_333, %get3A_334, %get3A_335] {strides = array<i32>} : memref<10x32x128xf32, #tpu.memory_space<vmem>>, vector<1x1x16xf32>,
        %get3A_337 = vector.shape_cast %get3A_336 : vector<1x1x16xf32> to vector<16xf32>
        %add3A_338 = arith.addf %add3A_331, %get3A_337 : vector<16xf32>
        %get3A_339 = arith.constant 8 : i32
        %get3A_340 = arith.index_cast %get3A_339 : i32 to index
        %get3A_341 = arith.index_cast %scan3A_284 : i32 to index
        %get3A_342 = arith.constant 0 : index
        %get3A_343 = tpu.vector_load %arg9[%get3A_340, %get3A_341, %get3A_342] {strides = array<i32>} : memref<10x32x128xf32, #tpu.memory_space<vmem>>, vector<1x1x16xf32>,
        %get3A_344 = vector.shape_cast %get3A_343 : vector<1x1x16xf32> to vector<16xf32>
        %add3A_345 = arith.addf %add3A_338, %get3A_344 : vector<16xf32>
        %get3A_346 = arith.constant 9 : i32
        %get3A_347 = arith.index_cast %get3A_346 : i32 to index
        %get3A_348 = arith.index_cast %scan3A_284 : i32 to index
        %get3A_349 = arith.constant 0 : index
        %get3A_350 = tpu.vector_load %arg9[%get3A_347, %get3A_348, %get3A_349] {strides = array<i32>} : memref<10x32x128xf32, #tpu.memory_space<vmem>>, vector<1x1x16xf32>,
        %get3A_351 = vector.shape_cast %get3A_350 : vector<1x1x16xf32> to vector<16xf32>
        %add3A_352 = arith.addf %add3A_345, %get3A_351 : vector<16xf32>
        %swap3A = arith.index_cast %scan3A_284 : i32 to index
        %swap3A_353 = arith.constant 0 : index
        %swap3A_354 = tpu.vector_load %arg11[%swap3A, %swap3A_353] {strides = array<i32>} : memref<32x128xf32, #tpu.memory_space<vmem>>, vector<1x16xf32>,
        %swap3A_355 = vector.shape_cast %swap3A_354 : vector<1x16xf32> to vector<16xf32>
        %swap3A_356 = vector.shape_cast %add3A_352 : vector<16xf32> to vector<1x16xf32>
        tpu.vector_store %arg11[%swap3A, %swap3A_353], %swap3A_356 {strides = array<i32>} : memref<32x128xf32, #tpu.memory_space<vmem>>, vector<1x16xf32>,
        %get3A_357 = arith.constant 0 : i32
        %get3A_358 = arith.index_cast %get3A_357 : i32 to index
        %get3A_359 = arith.index_cast %scan3A_284 : i32 to index
        %get3A_360 = arith.constant 16 : index
        %get3A_361 = tpu.vector_load %arg9[%get3A_358, %get3A_359, %get3A_360] {strides = array<i32>} : memref<10x32x128xf32, #tpu.memory_space<vmem>>, vector<1x1x16xf32>,
        %get3A_362 = vector.shape_cast %get3A_361 : vector<1x1x16xf32> to vector<16xf32>
        %get3A_363 = arith.constant 1 : i32
        %get3A_364 = arith.index_cast %get3A_363 : i32 to index
        %get3A_365 = arith.index_cast %scan3A_284 : i32 to index
        %get3A_366 = arith.constant 16 : index
        %get3A_367 = tpu.vector_load %arg9[%get3A_364, %get3A_365, %get3A_366] {strides = array<i32>} : memref<10x32x128xf32, #tpu.memory_space<vmem>>, vector<1x1x16xf32>,
        %get3A_368 = vector.shape_cast %get3A_367 : vector<1x1x16xf32> to vector<16xf32>
        %add3A_369 = arith.addf %get3A_362, %get3A_368 : vector<16xf32>
        %get3A_370 = arith.constant 2 : i32
        %get3A_371 = arith.index_cast %get3A_370 : i32 to index
        %get3A_372 = arith.index_cast %scan3A_284 : i32 to index
        %get3A_373 = arith.constant 16 : index
        %get3A_374 = tpu.vector_load %arg9[%get3A_371, %get3A_372, %get3A_373] {strides = array<i32>} : memref<10x32x128xf32, #tpu.memory_space<vmem>>, vector<1x1x16xf32>,
        %get3A_375 = vector.shape_cast %get3A_374 : vector<1x1x16xf32> to vector<16xf32>
        %add3A_376 = arith.addf %add3A_369, %get3A_375 : vector<16xf32>
        %get3A_377 = arith.constant 3 : i32
        %get3A_378 = arith.index_cast %get3A_377 : i32 to index
        %get3A_379 = arith.index_cast %scan3A_284 : i32 to index
        %get3A_380 = arith.constant 16 : index
        %get3A_381 = tpu.vector_load %arg9[%get3A_378, %get3A_379, %get3A_380] {strides = array<i32>} : memref<10x32x128xf32, #tpu.memory_space<vmem>>, vector<1x1x16xf32>,
        %get3A_382 = vector.shape_cast %get3A_381 : vector<1x1x16xf32> to vector<16xf32>
        %add3A_383 = arith.addf %add3A_376, %get3A_382 : vector<16xf32>
        %get3A_384 = arith.constant 4 : i32
        %get3A_385 = arith.index_cast %get3A_384 : i32 to index
        %get3A_386 = arith.index_cast %scan3A_284 : i32 to index
        %get3A_387 = arith.constant 16 : index
        %get3A_388 = tpu.vector_load %arg9[%get3A_385, %get3A_386, %get3A_387] {strides = array<i32>} : memref<10x32x128xf32, #tpu.memory_space<vmem>>, vector<1x1x16xf32>,
        %get3A_389 = vector.shape_cast %get3A_388 : vector<1x1x16xf32> to vector<16xf32>
        %add3A_390 = arith.addf %add3A_383, %get3A_389 : vector<16xf32>
        %get3A_391 = arith.constant 5 : i32
        %get3A_392 = arith.index_cast %get3A_391 : i32 to index
        %get3A_393 = arith.index_cast %scan3A_284 : i32 to index
        %get3A_394 = arith.constant 16 : index
        %get3A_395 = tpu.vector_load %arg9[%get3A_392, %get3A_393, %get3A_394] {strides = array<i32>} : memref<10x32x128xf32, #tpu.memory_space<vmem>>, vector<1x1x16xf32>,
        %get3A_396 = vector.shape_cast %get3A_395 : vector<1x1x16xf32> to vector<16xf32>
        %add3A_397 = arith.addf %add3A_390, %get3A_396 : vector<16xf32>
        %get3A_398 = arith.constant 6 : i32
        %get3A_399 = arith.index_cast %get3A_398 : i32 to index
        %get3A_400 = arith.index_cast %scan3A_284 : i32 to index
        %get3A_401 = arith.constant 16 : index
        %get3A_402 = tpu.vector_load %arg9[%get3A_399, %get3A_400, %get3A_401] {strides = array<i32>} : memref<10x32x128xf32, #tpu.memory_space<vmem>>, vector<1x1x16xf32>,
        %get3A_403 = vector.shape_cast %get3A_402 : vector<1x1x16xf32> to vector<16xf32>
        %add3A_404 = arith.addf %add3A_397, %get3A_403 : vector<16xf32>
        %get3A_405 = arith.constant 7 : i32
        %get3A_406 = arith.index_cast %get3A_405 : i32 to index
        %get3A_407 = arith.index_cast %scan3A_284 : i32 to index
        %get3A_408 = arith.constant 16 : index
        %get3A_409 = tpu.vector_load %arg9[%get3A_406, %get3A_407, %get3A_408] {strides = array<i32>} : memref<10x32x128xf32, #tpu.memory_space<vmem>>, vector<1x1x16xf32>,
        %get3A_410 = vector.shape_cast %get3A_409 : vector<1x1x16xf32> to vector<16xf32>
        %add3A_411 = arith.addf %add3A_404, %get3A_410 : vector<16xf32>
        %get3A_412 = arith.constant 8 : i32
        %get3A_413 = arith.index_cast %get3A_412 : i32 to index
        %get3A_414 = arith.index_cast %scan3A_284 : i32 to index
        %get3A_415 = arith.constant 16 : index
        %get3A_416 = tpu.vector_load %arg9[%get3A_413, %get3A_414, %get3A_415] {strides = array<i32>} : memref<10x32x128xf32, #tpu.memory_space<vmem>>, vector<1x1x16xf32>,
        %get3A_417 = vector.shape_cast %get3A_416 : vector<1x1x16xf32> to vector<16xf32>
        %add3A_418 = arith.addf %add3A_411, %get3A_417 : vector<16xf32>
        %get3A_419 = arith.constant 9 : i32
        %get3A_420 = arith.index_cast %get3A_419 : i32 to index
        %get3A_421 = arith.index_cast %scan3A_284 : i32 to index
        %get3A_422 = arith.constant 16 : index
        %get3A_423 = tpu.vector_load %arg9[%get3A_420, %get3A_421, %get3A_422] {strides = array<i32>} : memref<10x32x128xf32, #tpu.memory_space<vmem>>, vector<1x1x16xf32>,
        %get3A_424 = vector.shape_cast %get3A_423 : vector<1x1x16xf32> to vector<16xf32>
        %add3A_425 = arith.addf %add3A_418, %get3A_424 : vector<16xf32>
        %swap3A_426 = arith.index_cast %scan3A_284 : i32 to index
        %swap3A_427 = arith.constant 16 : index
        %swap3A_428 = tpu.vector_load %arg11[%swap3A_426, %swap3A_427] {strides = array<i32>} : memref<32x128xf32, #tpu.memory_space<vmem>>, vector<1x16xf32>,
        %swap3A_429 = vector.shape_cast %swap3A_428 : vector<1x16xf32> to vector<16xf32>
        %swap3A_430 = vector.shape_cast %add3A_425 : vector<16xf32> to vector<1x16xf32>
        tpu.vector_store %arg11[%swap3A_426, %swap3A_427], %swap3A_430 {strides = array<i32>} : memref<32x128xf32, #tpu.memory_space<vmem>>, vector<1x16xf32>,
        %get3A_431 = arith.constant 0 : i32
        %get3A_432 = arith.index_cast %get3A_431 : i32 to index
        %get3A_433 = arith.index_cast %scan3A_284 : i32 to index
        %get3A_434 = arith.constant 32 : index
        %get3A_435 = tpu.vector_load %arg9[%get3A_432, %get3A_433, %get3A_434] {strides = array<i32>} : memref<10x32x128xf32, #tpu.memory_space<vmem>>, vector<1x1x16xf32>,
        %get3A_436 = vector.shape_cast %get3A_435 : vector<1x1x16xf32> to vector<16xf32>
        %get3A_437 = arith.constant 1 : i32
        %get3A_438 = arith.index_cast %get3A_437 : i32 to index
        %get3A_439 = arith.index_cast %scan3A_284 : i32 to index
        %get3A_440 = arith.constant 32 : index
        %get3A_441 = tpu.vector_load %arg9[%get3A_438, %get3A_439, %get3A_440] {strides = array<i32>} : memref<10x32x128xf32, #tpu.memory_space<vmem>>, vector<1x1x16xf32>,
        %get3A_442 = vector.shape_cast %get3A_441 : vector<1x1x16xf32> to vector<16xf32>
        %add3A_443 = arith.addf %get3A_436, %get3A_442 : vector<16xf32>
        %get3A_444 = arith.constant 2 : i32
        %get3A_445 = arith.index_cast %get3A_444 : i32 to index
        %get3A_446 = arith.index_cast %scan3A_284 : i32 to index
        %get3A_447 = arith.constant 32 : index
        %get3A_448 = tpu.vector_load %arg9[%get3A_445, %get3A_446, %get3A_447] {strides = array<i32>} : memref<10x32x128xf32, #tpu.memory_space<vmem>>, vector<1x1x16xf32>,
        %get3A_449 = vector.shape_cast %get3A_448 : vector<1x1x16xf32> to vector<16xf32>
        %add3A_450 = arith.addf %add3A_443, %get3A_449 : vector<16xf32>
        %get3A_451 = arith.constant 3 : i32
        %get3A_452 = arith.index_cast %get3A_451 : i32 to index
        %get3A_453 = arith.index_cast %scan3A_284 : i32 to index
        %get3A_454 = arith.constant 32 : index
        %get3A_455 = tpu.vector_load %arg9[%get3A_452, %get3A_453, %get3A_454] {strides = array<i32>} : memref<10x32x128xf32, #tpu.memory_space<vmem>>, vector<1x1x16xf32>,
        %get3A_456 = vector.shape_cast %get3A_455 : vector<1x1x16xf32> to vector<16xf32>
        %add3A_457 = arith.addf %add3A_450, %get3A_456 : vector<16xf32>
        %get3A_458 = arith.constant 4 : i32
        %get3A_459 = arith.index_cast %get3A_458 : i32 to index
        %get3A_460 = arith.index_cast %scan3A_284 : i32 to index
        %get3A_461 = arith.constant 32 : index
        %get3A_462 = tpu.vector_load %arg9[%get3A_459, %get3A_460, %get3A_461] {strides = array<i32>} : memref<10x32x128xf32, #tpu.memory_space<vmem>>, vector<1x1x16xf32>,
        %get3A_463 = vector.shape_cast %get3A_462 : vector<1x1x16xf32> to vector<16xf32>
        %add3A_464 = arith.addf %add3A_457, %get3A_463 : vector<16xf32>
        %get3A_465 = arith.constant 5 : i32
        %get3A_466 = arith.index_cast %get3A_465 : i32 to index
        %get3A_467 = arith.index_cast %scan3A_284 : i32 to index
        %get3A_468 = arith.constant 32 : index
        %get3A_469 = tpu.vector_load %arg9[%get3A_466, %get3A_467, %get3A_468] {strides = array<i32>} : memref<10x32x128xf32, #tpu.memory_space<vmem>>, vector<1x1x16xf32>,
        %get3A_470 = vector.shape_cast %get3A_469 : vector<1x1x16xf32> to vector<16xf32>
        %add3A_471 = arith.addf %add3A_464, %get3A_470 : vector<16xf32>
        %get3A_472 = arith.constant 6 : i32
        %get3A_473 = arith.index_cast %get3A_472 : i32 to index
        %get3A_474 = arith.index_cast %scan3A_284 : i32 to index
        %get3A_475 = arith.constant 32 : index
        %get3A_476 = tpu.vector_load %arg9[%get3A_473, %get3A_474, %get3A_475] {strides = array<i32>} : memref<10x32x128xf32, #tpu.memory_space<vmem>>, vector<1x1x16xf32>,
        %get3A_477 = vector.shape_cast %get3A_476 : vector<1x1x16xf32> to vector<16xf32>
        %add3A_478 = arith.addf %add3A_471, %get3A_477 : vector<16xf32>
        %get3A_479 = arith.constant 7 : i32
        %get3A_480 = arith.index_cast %get3A_479 : i32 to index
        %get3A_481 = arith.index_cast %scan3A_284 : i32 to index
        %get3A_482 = arith.constant 32 : index
        %get3A_483 = tpu.vector_load %arg9[%get3A_480, %get3A_481, %get3A_482] {strides = array<i32>} : memref<10x32x128xf32, #tpu.memory_space<vmem>>, vector<1x1x16xf32>,
        %get3A_484 = vector.shape_cast %get3A_483 : vector<1x1x16xf32> to vector<16xf32>
        %add3A_485 = arith.addf %add3A_478, %get3A_484 : vector<16xf32>
        %get3A_486 = arith.constant 8 : i32
        %get3A_487 = arith.index_cast %get3A_486 : i32 to index
        %get3A_488 = arith.index_cast %scan3A_284 : i32 to index
        %get3A_489 = arith.constant 32 : index
        %get3A_490 = tpu.vector_load %arg9[%get3A_487, %get3A_488, %get3A_489] {strides = array<i32>} : memref<10x32x128xf32, #tpu.memory_space<vmem>>, vector<1x1x16xf32>,
        %get3A_491 = vector.shape_cast %get3A_490 : vector<1x1x16xf32> to vector<16xf32>
        %add3A_492 = arith.addf %add3A_485, %get3A_491 : vector<16xf32>
        %get3A_493 = arith.constant 9 : i32
        %get3A_494 = arith.index_cast %get3A_493 : i32 to index
        %get3A_495 = arith.index_cast %scan3A_284 : i32 to index
        %get3A_496 = arith.constant 32 : index
        %get3A_497 = tpu.vector_load %arg9[%get3A_494, %get3A_495, %get3A_496] {strides = array<i32>} : memref<10x32x128xf32, #tpu.memory_space<vmem>>, vector<1x1x16xf32>,
        %get3A_498 = vector.shape_cast %get3A_497 : vector<1x1x16xf32> to vector<16xf32>
        %add3A_499 = arith.addf %add3A_492, %get3A_498 : vector<16xf32>
        %swap3A_500 = arith.index_cast %scan3A_284 : i32 to index
        %swap3A_501 = arith.constant 32 : index
        %swap3A_502 = tpu.vector_load %arg11[%swap3A_500, %swap3A_501] {strides = array<i32>} : memref<32x128xf32, #tpu.memory_space<vmem>>, vector<1x16xf32>,
        %swap3A_503 = vector.shape_cast %swap3A_502 : vector<1x16xf32> to vector<16xf32>
        %swap3A_504 = vector.shape_cast %add3A_499 : vector<16xf32> to vector<1x16xf32>
        tpu.vector_store %arg11[%swap3A_500, %swap3A_501], %swap3A_504 {strides = array<i32>} : memref<32x128xf32, #tpu.memory_space<vmem>>, vector<1x16xf32>,
        %get3A_505 = arith.constant 0 : i32
        %get3A_506 = arith.index_cast %get3A_505 : i32 to index
        %get3A_507 = arith.index_cast %scan3A_284 : i32 to index
        %get3A_508 = arith.constant 48 : index
        %get3A_509 = tpu.vector_load %arg9[%get3A_506, %get3A_507, %get3A_508] {strides = array<i32>} : memref<10x32x128xf32, #tpu.memory_space<vmem>>, vector<1x1x16xf32>,
        %get3A_510 = vector.shape_cast %get3A_509 : vector<1x1x16xf32> to vector<16xf32>
        %get3A_511 = arith.constant 1 : i32
        %get3A_512 = arith.index_cast %get3A_511 : i32 to index
        %get3A_513 = arith.index_cast %scan3A_284 : i32 to index
        %get3A_514 = arith.constant 48 : index
        %get3A_515 = tpu.vector_load %arg9[%get3A_512, %get3A_513, %get3A_514] {strides = array<i32>} : memref<10x32x128xf32, #tpu.memory_space<vmem>>, vector<1x1x16xf32>,
        %get3A_516 = vector.shape_cast %get3A_515 : vector<1x1x16xf32> to vector<16xf32>
        %add3A_517 = arith.addf %get3A_510, %get3A_516 : vector<16xf32>
        %get3A_518 = arith.constant 2 : i32
        %get3A_519 = arith.index_cast %get3A_518 : i32 to index
        %get3A_520 = arith.index_cast %scan3A_284 : i32 to index
        %get3A_521 = arith.constant 48 : index
        %get3A_522 = tpu.vector_load %arg9[%get3A_519, %get3A_520, %get3A_521] {strides = array<i32>} : memref<10x32x128xf32, #tpu.memory_space<vmem>>, vector<1x1x16xf32>,
        %get3A_523 = vector.shape_cast %get3A_522 : vector<1x1x16xf32> to vector<16xf32>
        %add3A_524 = arith.addf %add3A_517, %get3A_523 : vector<16xf32>
        %get3A_525 = arith.constant 3 : i32
        %get3A_526 = arith.index_cast %get3A_525 : i32 to index
        %get3A_527 = arith.index_cast %scan3A_284 : i32 to index
        %get3A_528 = arith.constant 48 : index
        %get3A_529 = tpu.vector_load %arg9[%get3A_526, %get3A_527, %get3A_528] {strides = array<i32>} : memref<10x32x128xf32, #tpu.memory_space<vmem>>, vector<1x1x16xf32>,
        %get3A_530 = vector.shape_cast %get3A_529 : vector<1x1x16xf32> to vector<16xf32>
        %add3A_531 = arith.addf %add3A_524, %get3A_530 : vector<16xf32>
        %get3A_532 = arith.constant 4 : i32
        %get3A_533 = arith.index_cast %get3A_532 : i32 to index
        %get3A_534 = arith.index_cast %scan3A_284 : i32 to index
        %get3A_535 = arith.constant 48 : index
        %get3A_536 = tpu.vector_load %arg9[%get3A_533, %get3A_534, %get3A_535] {strides = array<i32>} : memref<10x32x128xf32, #tpu.memory_space<vmem>>, vector<1x1x16xf32>,
        %get3A_537 = vector.shape_cast %get3A_536 : vector<1x1x16xf32> to vector<16xf32>
        %add3A_538 = arith.addf %add3A_531, %get3A_537 : vector<16xf32>
        %get3A_539 = arith.constant 5 : i32
        %get3A_540 = arith.index_cast %get3A_539 : i32 to index
        %get3A_541 = arith.index_cast %scan3A_284 : i32 to index
        %get3A_542 = arith.constant 48 : index
        %get3A_543 = tpu.vector_load %arg9[%get3A_540, %get3A_541, %get3A_542] {strides = array<i32>} : memref<10x32x128xf32, #tpu.memory_space<vmem>>, vector<1x1x16xf32>,
        %get3A_544 = vector.shape_cast %get3A_543 : vector<1x1x16xf32> to vector<16xf32>
        %add3A_545 = arith.addf %add3A_538, %get3A_544 : vector<16xf32>
        %get3A_546 = arith.constant 6 : i32
        %get3A_547 = arith.index_cast %get3A_546 : i32 to index
        %get3A_548 = arith.index_cast %scan3A_284 : i32 to index
        %get3A_549 = arith.constant 48 : index
        %get3A_550 = tpu.vector_load %arg9[%get3A_547, %get3A_548, %get3A_549] {strides = array<i32>} : memref<10x32x128xf32, #tpu.memory_space<vmem>>, vector<1x1x16xf32>,
        %get3A_551 = vector.shape_cast %get3A_550 : vector<1x1x16xf32> to vector<16xf32>
        %add3A_552 = arith.addf %add3A_545, %get3A_551 : vector<16xf32>
        %get3A_553 = arith.constant 7 : i32
        %get3A_554 = arith.index_cast %get3A_553 : i32 to index
        %get3A_555 = arith.index_cast %scan3A_284 : i32 to index
        %get3A_556 = arith.constant 48 : index
        %get3A_557 = tpu.vector_load %arg9[%get3A_554, %get3A_555, %get3A_556] {strides = array<i32>} : memref<10x32x128xf32, #tpu.memory_space<vmem>>, vector<1x1x16xf32>,
        %get3A_558 = vector.shape_cast %get3A_557 : vector<1x1x16xf32> to vector<16xf32>
        %add3A_559 = arith.addf %add3A_552, %get3A_558 : vector<16xf32>
        %get3A_560 = arith.constant 8 : i32
        %get3A_561 = arith.index_cast %get3A_560 : i32 to index
        %get3A_562 = arith.index_cast %scan3A_284 : i32 to index
        %get3A_563 = arith.constant 48 : index
        %get3A_564 = tpu.vector_load %arg9[%get3A_561, %get3A_562, %get3A_563] {strides = array<i32>} : memref<10x32x128xf32, #tpu.memory_space<vmem>>, vector<1x1x16xf32>,
        %get3A_565 = vector.shape_cast %get3A_564 : vector<1x1x16xf32> to vector<16xf32>
        %add3A_566 = arith.addf %add3A_559, %get3A_565 : vector<16xf32>
        %get3A_567 = arith.constant 9 : i32
        %get3A_568 = arith.index_cast %get3A_567 : i32 to index
        %get3A_569 = arith.index_cast %scan3A_284 : i32 to index
        %get3A_570 = arith.constant 48 : index
        %get3A_571 = tpu.vector_load %arg9[%get3A_568, %get3A_569, %get3A_570] {strides = array<i32>} : memref<10x32x128xf32, #tpu.memory_space<vmem>>, vector<1x1x16xf32>,
        %get3A_572 = vector.shape_cast %get3A_571 : vector<1x1x16xf32> to vector<16xf32>
        %add3A_573 = arith.addf %add3A_566, %get3A_572 : vector<16xf32>
        %swap3A_574 = arith.index_cast %scan3A_284 : i32 to index
        %swap3A_575 = arith.constant 48 : index
        %swap3A_576 = tpu.vector_load %arg11[%swap3A_574, %swap3A_575] {strides = array<i32>} : memref<32x128xf32, #tpu.memory_space<vmem>>, vector<1x16xf32>,
        %swap3A_577 = vector.shape_cast %swap3A_576 : vector<1x16xf32> to vector<16xf32>
        %swap3A_578 = vector.shape_cast %add3A_573 : vector<16xf32> to vector<1x16xf32>
        tpu.vector_store %arg11[%swap3A_574, %swap3A_575], %swap3A_578 {strides = array<i32>} : memref<32x128xf32, #tpu.memory_space<vmem>>, vector<1x16xf32>,
        %get3A_579 = arith.constant 0 : i32
        %get3A_580 = arith.index_cast %get3A_579 : i32 to index
        %get3A_581 = arith.index_cast %scan3A_284 : i32 to index
        %get3A_582 = arith.constant 64 : index
        %get3A_583 = tpu.vector_load %arg9[%get3A_580, %get3A_581, %get3A_582] {strides = array<i32>} : memref<10x32x128xf32, #tpu.memory_space<vmem>>, vector<1x1x16xf32>,
        %get3A_584 = vector.shape_cast %get3A_583 : vector<1x1x16xf32> to vector<16xf32>
        %get3A_585 = arith.constant 1 : i32
        %get3A_586 = arith.index_cast %get3A_585 : i32 to index
        %get3A_587 = arith.index_cast %scan3A_284 : i32 to index
        %get3A_588 = arith.constant 64 : index
        %get3A_589 = tpu.vector_load %arg9[%get3A_586, %get3A_587, %get3A_588] {strides = array<i32>} : memref<10x32x128xf32, #tpu.memory_space<vmem>>, vector<1x1x16xf32>,
        %get3A_590 = vector.shape_cast %get3A_589 : vector<1x1x16xf32> to vector<16xf32>
        %add3A_591 = arith.addf %get3A_584, %get3A_590 : vector<16xf32>
        %get3A_592 = arith.constant 2 : i32
        %get3A_593 = arith.index_cast %get3A_592 : i32 to index
        %get3A_594 = arith.index_cast %scan3A_284 : i32 to index
        %get3A_595 = arith.constant 64 : index
        %get3A_596 = tpu.vector_load %arg9[%get3A_593, %get3A_594, %get3A_595] {strides = array<i32>} : memref<10x32x128xf32, #tpu.memory_space<vmem>>, vector<1x1x16xf32>,
        %get3A_597 = vector.shape_cast %get3A_596 : vector<1x1x16xf32> to vector<16xf32>
        %add3A_598 = arith.addf %add3A_591, %get3A_597 : vector<16xf32>
        %get3A_599 = arith.constant 3 : i32
        %get3A_600 = arith.index_cast %get3A_599 : i32 to index
        %get3A_601 = arith.index_cast %scan3A_284 : i32 to index
        %get3A_602 = arith.constant 64 : index
        %get3A_603 = tpu.vector_load %arg9[%get3A_600, %get3A_601, %get3A_602] {strides = array<i32>} : memref<10x32x128xf32, #tpu.memory_space<vmem>>, vector<1x1x16xf32>,
        %get3A_604 = vector.shape_cast %get3A_603 : vector<1x1x16xf32> to vector<16xf32>
        %add3A_605 = arith.addf %add3A_598, %get3A_604 : vector<16xf32>
        %get3A_606 = arith.constant 4 : i32
        %get3A_607 = arith.index_cast %get3A_606 : i32 to index
        %get3A_608 = arith.index_cast %scan3A_284 : i32 to index
        %get3A_609 = arith.constant 64 : index
        %get3A_610 = tpu.vector_load %arg9[%get3A_607, %get3A_608, %get3A_609] {strides = array<i32>} : memref<10x32x128xf32, #tpu.memory_space<vmem>>, vector<1x1x16xf32>,
        %get3A_611 = vector.shape_cast %get3A_610 : vector<1x1x16xf32> to vector<16xf32>
        %add3A_612 = arith.addf %add3A_605, %get3A_611 : vector<16xf32>
        %get3A_613 = arith.constant 5 : i32
        %get3A_614 = arith.index_cast %get3A_613 : i32 to index
        %get3A_615 = arith.index_cast %scan3A_284 : i32 to index
        %get3A_616 = arith.constant 64 : index
        %get3A_617 = tpu.vector_load %arg9[%get3A_614, %get3A_615, %get3A_616] {strides = array<i32>} : memref<10x32x128xf32, #tpu.memory_space<vmem>>, vector<1x1x16xf32>,
        %get3A_618 = vector.shape_cast %get3A_617 : vector<1x1x16xf32> to vector<16xf32>
        %add3A_619 = arith.addf %add3A_612, %get3A_618 : vector<16xf32>
        %get3A_620 = arith.constant 6 : i32
        %get3A_621 = arith.index_cast %get3A_620 : i32 to index
        %get3A_622 = arith.index_cast %scan3A_284 : i32 to index
        %get3A_623 = arith.constant 64 : index
        %get3A_624 = tpu.vector_load %arg9[%get3A_621, %get3A_622, %get3A_623] {strides = array<i32>} : memref<10x32x128xf32, #tpu.memory_space<vmem>>, vector<1x1x16xf32>,
        %get3A_625 = vector.shape_cast %get3A_624 : vector<1x1x16xf32> to vector<16xf32>
        %add3A_626 = arith.addf %add3A_619, %get3A_625 : vector<16xf32>
        %get3A_627 = arith.constant 7 : i32
        %get3A_628 = arith.index_cast %get3A_627 : i32 to index
        %get3A_629 = arith.index_cast %scan3A_284 : i32 to index
        %get3A_630 = arith.constant 64 : index
        %get3A_631 = tpu.vector_load %arg9[%get3A_628, %get3A_629, %get3A_630] {strides = array<i32>} : memref<10x32x128xf32, #tpu.memory_space<vmem>>, vector<1x1x16xf32>,
        %get3A_632 = vector.shape_cast %get3A_631 : vector<1x1x16xf32> to vector<16xf32>
        %add3A_633 = arith.addf %add3A_626, %get3A_632 : vector<16xf32>
        %get3A_634 = arith.constant 8 : i32
        %get3A_635 = arith.index_cast %get3A_634 : i32 to index
        %get3A_636 = arith.index_cast %scan3A_284 : i32 to index
        %get3A_637 = arith.constant 64 : index
        %get3A_638 = tpu.vector_load %arg9[%get3A_635, %get3A_636, %get3A_637] {strides = array<i32>} : memref<10x32x128xf32, #tpu.memory_space<vmem>>, vector<1x1x16xf32>,
        %get3A_639 = vector.shape_cast %get3A_638 : vector<1x1x16xf32> to vector<16xf32>
        %add3A_640 = arith.addf %add3A_633, %get3A_639 : vector<16xf32>
        %get3A_641 = arith.constant 9 : i32
        %get3A_642 = arith.index_cast %get3A_641 : i32 to index
        %get3A_643 = arith.index_cast %scan3A_284 : i32 to index
        %get3A_644 = arith.constant 64 : index
        %get3A_645 = tpu.vector_load %arg9[%get3A_642, %get3A_643, %get3A_644] {strides = array<i32>} : memref<10x32x128xf32, #tpu.memory_space<vmem>>, vector<1x1x16xf32>,
        %get3A_646 = vector.shape_cast %get3A_645 : vector<1x1x16xf32> to vector<16xf32>
        %add3A_647 = arith.addf %add3A_640, %get3A_646 : vector<16xf32>
        %swap3A_648 = arith.index_cast %scan3A_284 : i32 to index
        %swap3A_649 = arith.constant 64 : index
        %swap3A_650 = tpu.vector_load %arg11[%swap3A_648, %swap3A_649] {strides = array<i32>} : memref<32x128xf32, #tpu.memory_space<vmem>>, vector<1x16xf32>,
        %swap3A_651 = vector.shape_cast %swap3A_650 : vector<1x16xf32> to vector<16xf32>
        %swap3A_652 = vector.shape_cast %add3A_647 : vector<16xf32> to vector<1x16xf32>
        tpu.vector_store %arg11[%swap3A_648, %swap3A_649], %swap3A_652 {strides = array<i32>} : memref<32x128xf32, #tpu.memory_space<vmem>>, vector<1x16xf32>,
        %get3A_653 = arith.constant 0 : i32
        %get3A_654 = arith.index_cast %get3A_653 : i32 to index
        %get3A_655 = arith.index_cast %scan3A_284 : i32 to index
        %get3A_656 = arith.constant 80 : index
        %get3A_657 = tpu.vector_load %arg9[%get3A_654, %get3A_655, %get3A_656] {strides = array<i32>} : memref<10x32x128xf32, #tpu.memory_space<vmem>>, vector<1x1x16xf32>,
        %get3A_658 = vector.shape_cast %get3A_657 : vector<1x1x16xf32> to vector<16xf32>
        %get3A_659 = arith.constant 1 : i32
        %get3A_660 = arith.index_cast %get3A_659 : i32 to index
        %get3A_661 = arith.index_cast %scan3A_284 : i32 to index
        %get3A_662 = arith.constant 80 : index
        %get3A_663 = tpu.vector_load %arg9[%get3A_660, %get3A_661, %get3A_662] {strides = array<i32>} : memref<10x32x128xf32, #tpu.memory_space<vmem>>, vector<1x1x16xf32>,
        %get3A_664 = vector.shape_cast %get3A_663 : vector<1x1x16xf32> to vector<16xf32>
        %add3A_665 = arith.addf %get3A_658, %get3A_664 : vector<16xf32>
        %get3A_666 = arith.constant 2 : i32
        %get3A_667 = arith.index_cast %get3A_666 : i32 to index
        %get3A_668 = arith.index_cast %scan3A_284 : i32 to index
        %get3A_669 = arith.constant 80 : index
        %get3A_670 = tpu.vector_load %arg9[%get3A_667, %get3A_668, %get3A_669] {strides = array<i32>} : memref<10x32x128xf32, #tpu.memory_space<vmem>>, vector<1x1x16xf32>,
        %get3A_671 = vector.shape_cast %get3A_670 : vector<1x1x16xf32> to vector<16xf32>
        %add3A_672 = arith.addf %add3A_665, %get3A_671 : vector<16xf32>
        %get3A_673 = arith.constant 3 : i32
        %get3A_674 = arith.index_cast %get3A_673 : i32 to index
        %get3A_675 = arith.index_cast %scan3A_284 : i32 to index
        %get3A_676 = arith.constant 80 : index
        %get3A_677 = tpu.vector_load %arg9[%get3A_674, %get3A_675, %get3A_676] {strides = array<i32>} : memref<10x32x128xf32, #tpu.memory_space<vmem>>, vector<1x1x16xf32>,
        %get3A_678 = vector.shape_cast %get3A_677 : vector<1x1x16xf32> to vector<16xf32>
        %add3A_679 = arith.addf %add3A_672, %get3A_678 : vector<16xf32>
        %get3A_680 = arith.constant 4 : i32
        %get3A_681 = arith.index_cast %get3A_680 : i32 to index
        %get3A_682 = arith.index_cast %scan3A_284 : i32 to index
        %get3A_683 = arith.constant 80 : index
        %get3A_684 = tpu.vector_load %arg9[%get3A_681, %get3A_682, %get3A_683] {strides = array<i32>} : memref<10x32x128xf32, #tpu.memory_space<vmem>>, vector<1x1x16xf32>,
        %get3A_685 = vector.shape_cast %get3A_684 : vector<1x1x16xf32> to vector<16xf32>
        %add3A_686 = arith.addf %add3A_679, %get3A_685 : vector<16xf32>
        %get3A_687 = arith.constant 5 : i32
        %get3A_688 = arith.index_cast %get3A_687 : i32 to index
        %get3A_689 = arith.index_cast %scan3A_284 : i32 to index
        %get3A_690 = arith.constant 80 : index
        %get3A_691 = tpu.vector_load %arg9[%get3A_688, %get3A_689, %get3A_690] {strides = array<i32>} : memref<10x32x128xf32, #tpu.memory_space<vmem>>, vector<1x1x16xf32>,
        %get3A_692 = vector.shape_cast %get3A_691 : vector<1x1x16xf32> to vector<16xf32>
        %add3A_693 = arith.addf %add3A_686, %get3A_692 : vector<16xf32>
        %get3A_694 = arith.constant 6 : i32
        %get3A_695 = arith.index_cast %get3A_694 : i32 to index
        %get3A_696 = arith.index_cast %scan3A_284 : i32 to index
        %get3A_697 = arith.constant 80 : index
        %get3A_698 = tpu.vector_load %arg9[%get3A_695, %get3A_696, %get3A_697] {strides = array<i32>} : memref<10x32x128xf32, #tpu.memory_space<vmem>>, vector<1x1x16xf32>,
        %get3A_699 = vector.shape_cast %get3A_698 : vector<1x1x16xf32> to vector<16xf32>
        %add3A_700 = arith.addf %add3A_693, %get3A_699 : vector<16xf32>
        %get3A_701 = arith.constant 7 : i32
        %get3A_702 = arith.index_cast %get3A_701 : i32 to index
        %get3A_703 = arith.index_cast %scan3A_284 : i32 to index
        %get3A_704 = arith.constant 80 : index
        %get3A_705 = tpu.vector_load %arg9[%get3A_702, %get3A_703, %get3A_704] {strides = array<i32>} : memref<10x32x128xf32, #tpu.memory_space<vmem>>, vector<1x1x16xf32>,
        %get3A_706 = vector.shape_cast %get3A_705 : vector<1x1x16xf32> to vector<16xf32>
        %add3A_707 = arith.addf %add3A_700, %get3A_706 : vector<16xf32>
        %get3A_708 = arith.constant 8 : i32
        %get3A_709 = arith.index_cast %get3A_708 : i32 to index
        %get3A_710 = arith.index_cast %scan3A_284 : i32 to index
        %get3A_711 = arith.constant 80 : index
        %get3A_712 = tpu.vector_load %arg9[%get3A_709, %get3A_710, %get3A_711] {strides = array<i32>} : memref<10x32x128xf32, #tpu.memory_space<vmem>>, vector<1x1x16xf32>,
        %get3A_713 = vector.shape_cast %get3A_712 : vector<1x1x16xf32> to vector<16xf32>
        %add3A_714 = arith.addf %add3A_707, %get3A_713 : vector<16xf32>
        %get3A_715 = arith.constant 9 : i32
        %get3A_716 = arith.index_cast %get3A_715 : i32 to index
        %get3A_717 = arith.index_cast %scan3A_284 : i32 to index
        %get3A_718 = arith.constant 80 : index
        %get3A_719 = tpu.vector_load %arg9[%get3A_716, %get3A_717, %get3A_718] {strides = array<i32>} : memref<10x32x128xf32, #tpu.memory_space<vmem>>, vector<1x1x16xf32>,
        %get3A_720 = vector.shape_cast %get3A_719 : vector<1x1x16xf32> to vector<16xf32>
        %add3A_721 = arith.addf %add3A_714, %get3A_720 : vector<16xf32>
        %swap3A_722 = arith.index_cast %scan3A_284 : i32 to index
        %swap3A_723 = arith.constant 80 : index
        %swap3A_724 = tpu.vector_load %arg11[%swap3A_722, %swap3A_723] {strides = array<i32>} : memref<32x128xf32, #tpu.memory_space<vmem>>, vector<1x16xf32>,
        %swap3A_725 = vector.shape_cast %swap3A_724 : vector<1x16xf32> to vector<16xf32>
        %swap3A_726 = vector.shape_cast %add3A_721 : vector<16xf32> to vector<1x16xf32>
        tpu.vector_store %arg11[%swap3A_722, %swap3A_723], %swap3A_726 {strides = array<i32>} : memref<32x128xf32, #tpu.memory_space<vmem>>, vector<1x16xf32>,
        %get3A_727 = arith.constant 0 : i32
        %get3A_728 = arith.index_cast %get3A_727 : i32 to index
        %get3A_729 = arith.index_cast %scan3A_284 : i32 to index
        %get3A_730 = arith.constant 96 : index
        %get3A_731 = tpu.vector_load %arg9[%get3A_728, %get3A_729, %get3A_730] {strides = array<i32>} : memref<10x32x128xf32, #tpu.memory_space<vmem>>, vector<1x1x16xf32>,
        %get3A_732 = vector.shape_cast %get3A_731 : vector<1x1x16xf32> to vector<16xf32>
        %get3A_733 = arith.constant 1 : i32
        %get3A_734 = arith.index_cast %get3A_733 : i32 to index
        %get3A_735 = arith.index_cast %scan3A_284 : i32 to index
        %get3A_736 = arith.constant 96 : index
        %get3A_737 = tpu.vector_load %arg9[%get3A_734, %get3A_735, %get3A_736] {strides = array<i32>} : memref<10x32x128xf32, #tpu.memory_space<vmem>>, vector<1x1x16xf32>,
        %get3A_738 = vector.shape_cast %get3A_737 : vector<1x1x16xf32> to vector<16xf32>
        %add3A_739 = arith.addf %get3A_732, %get3A_738 : vector<16xf32>
        %get3A_740 = arith.constant 2 : i32
        %get3A_741 = arith.index_cast %get3A_740 : i32 to index
        %get3A_742 = arith.index_cast %scan3A_284 : i32 to index
        %get3A_743 = arith.constant 96 : index
        %get3A_744 = tpu.vector_load %arg9[%get3A_741, %get3A_742, %get3A_743] {strides = array<i32>} : memref<10x32x128xf32, #tpu.memory_space<vmem>>, vector<1x1x16xf32>,
        %get3A_745 = vector.shape_cast %get3A_744 : vector<1x1x16xf32> to vector<16xf32>
        %add3A_746 = arith.addf %add3A_739, %get3A_745 : vector<16xf32>
        %get3A_747 = arith.constant 3 : i32
        %get3A_748 = arith.index_cast %get3A_747 : i32 to index
        %get3A_749 = arith.index_cast %scan3A_284 : i32 to index
        %get3A_750 = arith.constant 96 : index
        %get3A_751 = tpu.vector_load %arg9[%get3A_748, %get3A_749, %get3A_750] {strides = array<i32>} : memref<10x32x128xf32, #tpu.memory_space<vmem>>, vector<1x1x16xf32>,
        %get3A_752 = vector.shape_cast %get3A_751 : vector<1x1x16xf32> to vector<16xf32>
        %add3A_753 = arith.addf %add3A_746, %get3A_752 : vector<16xf32>
        %get3A_754 = arith.constant 4 : i32
        %get3A_755 = arith.index_cast %get3A_754 : i32 to index
        %get3A_756 = arith.index_cast %scan3A_284 : i32 to index
        %get3A_757 = arith.constant 96 : index
        %get3A_758 = tpu.vector_load %arg9[%get3A_755, %get3A_756, %get3A_757] {strides = array<i32>} : memref<10x32x128xf32, #tpu.memory_space<vmem>>, vector<1x1x16xf32>,
        %get3A_759 = vector.shape_cast %get3A_758 : vector<1x1x16xf32> to vector<16xf32>
        %add3A_760 = arith.addf %add3A_753, %get3A_759 : vector<16xf32>
        %get3A_761 = arith.constant 5 : i32
        %get3A_762 = arith.index_cast %get3A_761 : i32 to index
        %get3A_763 = arith.index_cast %scan3A_284 : i32 to index
        %get3A_764 = arith.constant 96 : index
        %get3A_765 = tpu.vector_load %arg9[%get3A_762, %get3A_763, %get3A_764] {strides = array<i32>} : memref<10x32x128xf32, #tpu.memory_space<vmem>>, vector<1x1x16xf32>,
        %get3A_766 = vector.shape_cast %get3A_765 : vector<1x1x16xf32> to vector<16xf32>
        %add3A_767 = arith.addf %add3A_760, %get3A_766 : vector<16xf32>
        %get3A_768 = arith.constant 6 : i32
        %get3A_769 = arith.index_cast %get3A_768 : i32 to index
        %get3A_770 = arith.index_cast %scan3A_284 : i32 to index
        %get3A_771 = arith.constant 96 : index
        %get3A_772 = tpu.vector_load %arg9[%get3A_769, %get3A_770, %get3A_771] {strides = array<i32>} : memref<10x32x128xf32, #tpu.memory_space<vmem>>, vector<1x1x16xf32>,
        %get3A_773 = vector.shape_cast %get3A_772 : vector<1x1x16xf32> to vector<16xf32>
        %add3A_774 = arith.addf %add3A_767, %get3A_773 : vector<16xf32>
        %get3A_775 = arith.constant 7 : i32
        %get3A_776 = arith.index_cast %get3A_775 : i32 to index
        %get3A_777 = arith.index_cast %scan3A_284 : i32 to index
        %get3A_778 = arith.constant 96 : index
        %get3A_779 = tpu.vector_load %arg9[%get3A_776, %get3A_777, %get3A_778] {strides = array<i32>} : memref<10x32x128xf32, #tpu.memory_space<vmem>>, vector<1x1x16xf32>,
        %get3A_780 = vector.shape_cast %get3A_779 : vector<1x1x16xf32> to vector<16xf32>
        %add3A_781 = arith.addf %add3A_774, %get3A_780 : vector<16xf32>
        %get3A_782 = arith.constant 8 : i32
        %get3A_783 = arith.index_cast %get3A_782 : i32 to index
        %get3A_784 = arith.index_cast %scan3A_284 : i32 to index
        %get3A_785 = arith.constant 96 : index
        %get3A_786 = tpu.vector_load %arg9[%get3A_783, %get3A_784, %get3A_785] {strides = array<i32>} : memref<10x32x128xf32, #tpu.memory_space<vmem>>, vector<1x1x16xf32>,
        %get3A_787 = vector.shape_cast %get3A_786 : vector<1x1x16xf32> to vector<16xf32>
        %add3A_788 = arith.addf %add3A_781, %get3A_787 : vector<16xf32>
        %get3A_789 = arith.constant 9 : i32
        %get3A_790 = arith.index_cast %get3A_789 : i32 to index
        %get3A_791 = arith.index_cast %scan3A_284 : i32 to index
        %get3A_792 = arith.constant 96 : index
        %get3A_793 = tpu.vector_load %arg9[%get3A_790, %get3A_791, %get3A_792] {strides = array<i32>} : memref<10x32x128xf32, #tpu.memory_space<vmem>>, vector<1x1x16xf32>,
        %get3A_794 = vector.shape_cast %get3A_793 : vector<1x1x16xf32> to vector<16xf32>
        %add3A_795 = arith.addf %add3A_788, %get3A_794 : vector<16xf32>
        %swap3A_796 = arith.index_cast %scan3A_284 : i32 to index
        %swap3A_797 = arith.constant 96 : index
        %swap3A_798 = tpu.vector_load %arg11[%swap3A_796, %swap3A_797] {strides = array<i32>} : memref<32x128xf32, #tpu.memory_space<vmem>>, vector<1x16xf32>,
        %swap3A_799 = vector.shape_cast %swap3A_798 : vector<1x16xf32> to vector<16xf32>
        %swap3A_800 = vector.shape_cast %add3A_795 : vector<16xf32> to vector<1x16xf32>
        tpu.vector_store %arg11[%swap3A_796, %swap3A_797], %swap3A_800 {strides = array<i32>} : memref<32x128xf32, #tpu.memory_space<vmem>>, vector<1x16xf32>,
        %get3A_801 = arith.constant 0 : i32
        %get3A_802 = arith.index_cast %get3A_801 : i32 to index
        %get3A_803 = arith.index_cast %scan3A_284 : i32 to index
        %get3A_804 = arith.constant 112 : index
        %get3A_805 = tpu.vector_load %arg9[%get3A_802, %get3A_803, %get3A_804] {strides = array<i32>} : memref<10x32x128xf32, #tpu.memory_space<vmem>>, vector<1x1x16xf32>,
        %get3A_806 = vector.shape_cast %get3A_805 : vector<1x1x16xf32> to vector<16xf32>
        %get3A_807 = arith.constant 1 : i32
        %get3A_808 = arith.index_cast %get3A_807 : i32 to index
        %get3A_809 = arith.index_cast %scan3A_284 : i32 to index
        %get3A_810 = arith.constant 112 : index
        %get3A_811 = tpu.vector_load %arg9[%get3A_808, %get3A_809, %get3A_810] {strides = array<i32>} : memref<10x32x128xf32, #tpu.memory_space<vmem>>, vector<1x1x16xf32>,
        %get3A_812 = vector.shape_cast %get3A_811 : vector<1x1x16xf32> to vector<16xf32>
        %add3A_813 = arith.addf %get3A_806, %get3A_812 : vector<16xf32>
        %get3A_814 = arith.constant 2 : i32
        %get3A_815 = arith.index_cast %get3A_814 : i32 to index
        %get3A_816 = arith.index_cast %scan3A_284 : i32 to index
        %get3A_817 = arith.constant 112 : index
        %get3A_818 = tpu.vector_load %arg9[%get3A_815, %get3A_816, %get3A_817] {strides = array<i32>} : memref<10x32x128xf32, #tpu.memory_space<vmem>>, vector<1x1x16xf32>,
        %get3A_819 = vector.shape_cast %get3A_818 : vector<1x1x16xf32> to vector<16xf32>
        %add3A_820 = arith.addf %add3A_813, %get3A_819 : vector<16xf32>
        %get3A_821 = arith.constant 3 : i32
        %get3A_822 = arith.index_cast %get3A_821 : i32 to index
        %get3A_823 = arith.index_cast %scan3A_284 : i32 to index
        %get3A_824 = arith.constant 112 : index
        %get3A_825 = tpu.vector_load %arg9[%get3A_822, %get3A_823, %get3A_824] {strides = array<i32>} : memref<10x32x128xf32, #tpu.memory_space<vmem>>, vector<1x1x16xf32>,
        %get3A_826 = vector.shape_cast %get3A_825 : vector<1x1x16xf32> to vector<16xf32>
        %add3A_827 = arith.addf %add3A_820, %get3A_826 : vector<16xf32>
        %get3A_828 = arith.constant 4 : i32
        %get3A_829 = arith.index_cast %get3A_828 : i32 to index
        %get3A_830 = arith.index_cast %scan3A_284 : i32 to index
        %get3A_831 = arith.constant 112 : index
        %get3A_832 = tpu.vector_load %arg9[%get3A_829, %get3A_830, %get3A_831] {strides = array<i32>} : memref<10x32x128xf32, #tpu.memory_space<vmem>>, vector<1x1x16xf32>,
        %get3A_833 = vector.shape_cast %get3A_832 : vector<1x1x16xf32> to vector<16xf32>
        %add3A_834 = arith.addf %add3A_827, %get3A_833 : vector<16xf32>
        %get3A_835 = arith.constant 5 : i32
        %get3A_836 = arith.index_cast %get3A_835 : i32 to index
        %get3A_837 = arith.index_cast %scan3A_284 : i32 to index
        %get3A_838 = arith.constant 112 : index
        %get3A_839 = tpu.vector_load %arg9[%get3A_836, %get3A_837, %get3A_838] {strides = array<i32>} : memref<10x32x128xf32, #tpu.memory_space<vmem>>, vector<1x1x16xf32>,
        %get3A_840 = vector.shape_cast %get3A_839 : vector<1x1x16xf32> to vector<16xf32>
        %add3A_841 = arith.addf %add3A_834, %get3A_840 : vector<16xf32>
        %get3A_842 = arith.constant 6 : i32
        %get3A_843 = arith.index_cast %get3A_842 : i32 to index
        %get3A_844 = arith.index_cast %scan3A_284 : i32 to index
        %get3A_845 = arith.constant 112 : index
        %get3A_846 = tpu.vector_load %arg9[%get3A_843, %get3A_844, %get3A_845] {strides = array<i32>} : memref<10x32x128xf32, #tpu.memory_space<vmem>>, vector<1x1x16xf32>,
        %get3A_847 = vector.shape_cast %get3A_846 : vector<1x1x16xf32> to vector<16xf32>
        %add3A_848 = arith.addf %add3A_841, %get3A_847 : vector<16xf32>
        %get3A_849 = arith.constant 7 : i32
        %get3A_850 = arith.index_cast %get3A_849 : i32 to index
        %get3A_851 = arith.index_cast %scan3A_284 : i32 to index
        %get3A_852 = arith.constant 112 : index
        %get3A_853 = tpu.vector_load %arg9[%get3A_850, %get3A_851, %get3A_852] {strides = array<i32>} : memref<10x32x128xf32, #tpu.memory_space<vmem>>, vector<1x1x16xf32>,
        %get3A_854 = vector.shape_cast %get3A_853 : vector<1x1x16xf32> to vector<16xf32>
        %add3A_855 = arith.addf %add3A_848, %get3A_854 : vector<16xf32>
        %get3A_856 = arith.constant 8 : i32
        %get3A_857 = arith.index_cast %get3A_856 : i32 to index
        %get3A_858 = arith.index_cast %scan3A_284 : i32 to index
        %get3A_859 = arith.constant 112 : index
        %get3A_860 = tpu.vector_load %arg9[%get3A_857, %get3A_858, %get3A_859] {strides = array<i32>} : memref<10x32x128xf32, #tpu.memory_space<vmem>>, vector<1x1x16xf32>,
        %get3A_861 = vector.shape_cast %get3A_860 : vector<1x1x16xf32> to vector<16xf32>
        %add3A_862 = arith.addf %add3A_855, %get3A_861 : vector<16xf32>
        %get3A_863 = arith.constant 9 : i32
        %get3A_864 = arith.index_cast %get3A_863 : i32 to index
        %get3A_865 = arith.index_cast %scan3A_284 : i32 to index
        %get3A_866 = arith.constant 112 : index
        %get3A_867 = tpu.vector_load %arg9[%get3A_864, %get3A_865, %get3A_866] {strides = array<i32>} : memref<10x32x128xf32, #tpu.memory_space<vmem>>, vector<1x1x16xf32>,
        %get3A_868 = vector.shape_cast %get3A_867 : vector<1x1x16xf32> to vector<16xf32>
        %add3A_869 = arith.addf %add3A_862, %get3A_868 : vector<16xf32>
        %swap3A_870 = arith.index_cast %scan3A_284 : i32 to index
        %swap3A_871 = arith.constant 112 : index
        %swap3A_872 = tpu.vector_load %arg11[%swap3A_870, %swap3A_871] {strides = array<i32>} : memref<32x128xf32, #tpu.memory_space<vmem>>, vector<1x16xf32>,
        %swap3A_873 = vector.shape_cast %swap3A_872 : vector<1x16xf32> to vector<16xf32>
        %swap3A_874 = vector.shape_cast %add3A_869 : vector<16xf32> to vector<1x16xf32>
        tpu.vector_store %arg11[%swap3A_870, %swap3A_871], %swap3A_874 {strides = array<i32>} : memref<32x128xf32, #tpu.memory_space<vmem>>, vector<1x16xf32>,
      }
      %scan3A_267 = arith.constant 32 : i32
      %dma_start3A_268 = arith.constant 0 : i32
      %dma_start3A_269 = tpu.memref_slice %arg5[%mul3A_11, %dma_start3A_268] : memref<50176x128xf32, #tpu.memory_space<hbm>> -> memref<32x128xf32, #tpu.memory_space<hbm>>
      %dma_start3A_270 = arith.constant 0 : i32
      %dma_start3A_271 = tpu.memref_slice %arg5[%mul3A_11, %dma_start3A_270] : memref<50176x128xf32, #tpu.memory_space<hbm>> -> memref<32x128xf32, #tpu.memory_space<hbm>>
      tpu.enqueue_dma source(%arg10 : memref<32x128xf32, #tpu.memory_space<vmem>>) target(%dma_start3A_271 : memref<32x128xf32, #tpu.memory_space<hbm>>) target_semaphore(%arg13 : memref<!tpu.dma_semaphore, #tpu.memory_space<semaphore_mem>>)
      %dma_start3A_272 = arith.constant 0 : i32
      %dma_start3A_273 = tpu.memref_slice %arg6[%mul3A_11, %dma_start3A_272] : memref<50176x128xf32, #tpu.memory_space<hbm>> -> memref<32x128xf32, #tpu.memory_space<hbm>>
      %dma_start3A_274 = arith.constant 0 : i32
      %dma_start3A_275 = tpu.memref_slice %arg6[%mul3A_11, %dma_start3A_274] : memref<50176x128xf32, #tpu.memory_space<hbm>> -> memref<32x128xf32, #tpu.memory_space<hbm>>
      tpu.enqueue_dma source(%arg11 : memref<32x128xf32, #tpu.memory_space<vmem>>) target(%dma_start3A_275 : memref<32x128xf32, #tpu.memory_space<hbm>>) target_semaphore(%arg13 : memref<!tpu.dma_semaphore, #tpu.memory_space<semaphore_mem>>)
      %dma_wait3A_276 = arith.constant 0 : i32
      %dma_wait3A_277 = tpu.memref_slice %arg5[%mul3A_11, %dma_wait3A_276] : memref<50176x128xf32, #tpu.memory_space<hbm>> -> memref<32x128xf32, #tpu.memory_space<hbm>>
      %dma_wait3A_278 = arith.constant 0 : i32
      %dma_wait3A_279 = tpu.memref_slice %arg5[%mul3A_11, %dma_wait3A_278] : memref<50176x128xf32, #tpu.memory_space<hbm>> -> memref<32x128xf32, #tpu.memory_space<hbm>>
      tpu.wait_dma2 semaphore(%arg13 : memref<!tpu.dma_semaphore, #tpu.memory_space<semaphore_mem>>) src(%arg10 : memref<32x128xf32, #tpu.memory_space<vmem>>) dst(%dma_wait3A_279 : memref<32x128xf32, #tpu.memory_space<hbm>>)
      %dma_wait3A_280 = arith.constant 0 : i32
      %dma_wait3A_281 = tpu.memref_slice %arg6[%mul3A_11, %dma_wait3A_280] : memref<50176x128xf32, #tpu.memory_space<hbm>> -> memref<32x128xf32, #tpu.memory_space<hbm>>
      %dma_wait3A_282 = arith.constant 0 : i32
      %dma_wait3A_283 = tpu.memref_slice %arg6[%mul3A_11, %dma_wait3A_282] : memref<50176x128xf32, #tpu.memory_space<hbm>> -> memref<32x128xf32, #tpu.memory_space<hbm>>
      tpu.wait_dma2 semaphore(%arg13 : memref<!tpu.dma_semaphore, #tpu.memory_space<semaphore_mem>>) src(%arg11 : memref<32x128xf32, #tpu.memory_space<vmem>>) dst(%dma_wait3A_283 : memref<32x128xf32, #tpu.memory_space<hbm>>)
    }
    %scan3A_7 = arith.constant 49 : i32
    return
  }
}

module attributes {stable_mosaic.version = 14 : i64} {
  func.func @_tc_body(%arg0: i32, %arg1: memref<1024x128xf32, #tpu.memory_space<vmem>>, %arg2: memref<1024x128xf32, #tpu.memory_space<vmem>>, %arg3: memref<128x256xf32, #tpu.memory_space<vmem>>, %arg4: memref<128x1024xf32, #tpu.memory_space<vmem>>) attributes {dimension_semantics = [#tpu.dimension_semantics<arbitrary>], iteration_bounds = array<i64: 49>, scalar_prefetch = 0 : i64, scratch_operands = 0 : i64, tpu.core_type = #tpu.core_type<tc>, window_params = [{transform_indices = @transform_0, window_bounds = array<i64: 1024, 128>}, {transform_indices = @transform_1, window_bounds = array<i64: 1024, 128>}, {pipeline_mode = #tpu.pipeline_mode<synchronous>, transform_indices = @transform_2, window_bounds = array<i64: 128, 256>}, {transform_indices = @transform_3, window_bounds = array<i64: 128, 1024>}]} {
    %get3A = arith.constant 0 : index
    %get3A_0 = arith.constant 0 : index
    %get3A_1 = vector.load %arg2[%get3A, %get3A_0] : memref<1024x128xf32, #tpu.memory_space<vmem>>, vector<1024x128xf32>
    %mul3A = arith.constant 1.000000e-01 : f32
    %mul3A_2 = vector.broadcast %mul3A : f32 to vector<1024x128xf32>
    %mul3A_3 = arith.mulf %get3A_1, %mul3A_2 : vector<1024x128xf32>
    %get3A_4 = arith.constant 0 : index
    %get3A_5 = arith.constant 0 : index
    %get3A_6 = vector.load %arg1[%get3A_4, %get3A_5] : memref<1024x128xf32, #tpu.memory_space<vmem>>, vector<1024x128xf32>
    %concatenate3A = tpu.concatenate %get3A_6, %mul3A_3 in 1 : vector<1024x128xf32>, vector<1024x128xf32> -> vector<1024x256xf32>
    %get3A_7 = arith.constant 0 : index
    %get3A_8 = arith.constant 0 : index
    %get3A_9 = vector.load %arg3[%get3A_7, %get3A_8] : memref<128x256xf32, #tpu.memory_space<vmem>>, vector<128x256xf32>
    %dot_general3A = arith.constant dense<0.000000e+00> : vector<128x1024xf32>
    %dot_general3A_10 = tpu.matmul %get3A_9, %concatenate3A, %dot_general3A {dimension_numbers = #tpu.dot_dimension_numbers<[1], [1], [0], [0], [0, 0, 1, 0], [], []>, transpose_lhs_hint = false} : vector<128x256xf32>, vector<1024x256xf32>, vector<128x1024xf32> -> vector<128x1024xf32>
    %tanh3A = math.tanh %dot_general3A_10 : vector<128x1024xf32>
    %tanh3A_11 = math.tanh %mul3A_3 : vector<1024x128xf32>
    %transpose3A = tpu.transpose %tanh3A_11, [1, 0] : vector<1024x128xf32> -> vector<128x1024xf32>
    %add3A = arith.addf %tanh3A, %transpose3A : vector<128x1024xf32>
    %swap3A = arith.constant 0 : index
    %swap3A_12 = arith.constant 0 : index
    %swap3A_13 = vector.load %arg4[%swap3A, %swap3A_12] : memref<128x1024xf32, #tpu.memory_space<vmem>>, vector<128x1024xf32>
    tpu.vector_store %arg4[%swap3A, %swap3A_12], %add3A {strides = array<i32>} : memref<128x1024xf32, #tpu.memory_space<vmem>>, vector<128x1024xf32>,
    return
  }
  func.func @transform_0(%arg0: i32) -> (i32, i32) {
    %c0_i32 = arith.constant 0 : i32
    %c0_i32_0 = arith.constant 0 : i32
    return %arg0, %c0_i32 : i32, i32
  }
  func.func @transform_1(%arg0: i32) -> (i32, i32) {
    %c0_i32 = arith.constant 0 : i32
    %c0_i32_0 = arith.constant 0 : i32
    return %arg0, %c0_i32 : i32, i32
  }
  func.func @transform_2(%arg0: i32) -> (i32, i32) {
    %c0_i32 = arith.constant 0 : i32
    %c0_i32_0 = arith.constant 0 : i32
    %c0_i32_1 = arith.constant 0 : i32
    return %c0_i32, %c0_i32_0 : i32, i32
  }
  func.func @transform_3(%arg0: i32) -> (i32, i32) {
    %c0_i32 = arith.constant 0 : i32
    %c0_i32_0 = arith.constant 0 : i32
    return %c0_i32, %arg0 : i32, i32
  }
}

</mosaic_0001>

<sc_bundles>
// kernel: kernel.4.cloned.1.call-start
scs
__scs_entry_jumppad:
0x0: {  	(pc) =	sbr.rel $0x88, $3  }
0x1: {  	(tag) =	ssettag $0x0;
	lr =	simm.s32 $0x1  }
0x2: {  	[smem:$0x3F9D] =	sst lr;
	_ =	strace $0xD0000000  }
0x3: {  	_ = 	snop  }
0x4: {  	_ = 	snop  }
0x5: {  	_ = 	snop  }
0x6: {  	_ = 	snop  }
0x7: {  	_ = 	snop  }
__scs_overlays_trampoline_lowered:
0x8: {  	[smem:$0x3FAC] =	sst s0  }
0x9: {  	[smem:$0x3FAD] =	sst s1  }
0xa: {  	[smem:$0x3FAE] =	sst s2  }
0xb: {  	[smem:$0x3FAF] =	sst s3  }
0xc: {  	[smem:$0x3FB0] =	sst s4  }
0xd: {  	[smem:$0x3FB1] =	sst s5  }
0xe: {  	[smem:$0x3FB2] =	sst s6  }
0xf: {  	[smem:$0x3FB3] =	sst s7  }
0x10: {  	[smem:$0x3FB4] =	sst s8  }
0x11: {  	[smem:$0x3FB5] =	sst s9;
	s0 =	simm.s32 @!p0 $0x0  }
0x12: {  	s1 =	sld [smem:$0x3F9B];
	s0 =	simm.s32 @p0 $0x1  }
0x13: {  	[smem:$0x3FB6] =	sst s0;
	s0 =	simm.s32 @!p1 $0x0  }
0x14: {  	s2 =	sld [smem:$0x3F9A];
	s0 =	simm.s32 @p1 $0x1  }
0x15: {  	[smem:$0x3FB7] =	sst s0;
	s0 =	simm.s32 @!p2 $0x0  }
0x16: {  	s3 =	sld [smem:$0x3FDB];
	s0 =	simm.s32 @p2 $0x1  }
0x17: {  	s4 =	simm.s32 $0x1BF5;
	[smem:$0x3FB9] =	sst s0  }
0x18: {  	s0 =	sld [smem:$0x3F9C];
	_ =	swait.ge [sflag:s4], $0x0  }
0x19: {  	s7 =	sld [smem:$0x3F9D]  }
0x1a: {  	s8 =	sadd.s32 $0xFFFFE003, lr  }
0x1b: {  	s9 =	sadd.s32 $0xFFFFFEF7, lr;
	s5 =	simm.s32 $0xFFFFFFFF;
	p2 =	slt.u32 s8, $0xFFFFF086  }
0x1c: {  	p1 =	slt.u32 s9, $0xF7A;
	s5 =	simm.s32 @!p2 $0x0  }
0x1d: {  	s5 =	simm.s32 @p1 $0x1;
	p0 =	seq.s32 s7, s2  }
0x1e: {  	s7 =	smul.u32 @!p0 $0xF7A, s2;
	p2 =	seq.s32 @!p0 s5, $0x0  }
0x1f: {  	s9 =	smul.u32 $0xF7A, s1;
	s8 =	simm.s32 @!p0 $0x1BF5;
	p2 =	por !p2, p0  }
0x20: {  	[sflag:s8] =	ssyncset.s32 @!p0 $0xFFFFF086;
	s6 =	sadd.s32 @!p0 s3, s7;
	s7 =	simm.s32 @!p0 $0x108  }
0x21: {  	s3 =	sadd.s32 s3, s9;
	s6 =	sadd.s32 @!p0 $0x88, s6;
	s7 =	simm.s32 @p2 $0x1082  }
0x22: {  	[simem:s7], [sflag:s8] =	dma.local @!p0 [hbm:s6], $0xF7A  }
0x23: {  	s9 =	sor.u32 $0xD0000000, s2;
	s6 =	simm.s32 $0x108;
	_ =	swait.ge @!p0 [sflag:s8], $0x0  }
0x24: {  	s3 =	sadd.s32 $0x88, s3;
	s6 =	simm.s32 @!p1 $0x1082;
	[sflag:s4] =	ssyncset.s32 $0xFFFFF086  }
0x25: {  	[simem:s6], [sflag:s4] =	dma.local [hbm:s3], $0xF7A  }
0x26: {  	[smem:$0x3F9D] =	sst s1;
	(tag) =	ssettag s2;
	_ =	strace s9  }
0x27: {  	s1 =	sld [smem:$0x3FAD]  }
0x28: {  	s2 =	sld [smem:$0x3FAE]  }
0x29: {  	s4 =	sld [smem:$0x3FB0]  }
0x2a: {  	p0 =	seq.s32 s5, $0x0;
	s5 =	sld [smem:$0x3FB1]  }
0x2b: {  	s6 =	sld [smem:$0x3FB2]  }
0x2c: {  	s7 =	sld [smem:$0x3FB3]  }
0x2d: {  	s3 =	simm.s32 $0x108;
	s8 =	sld [smem:$0x3FB4]  }
0x2e: {  	s3 =	simm.s32 @!p0 $0x1082;
	s9 =	sld [smem:$0x3FB5]  }
0x2f: {  	lr =	sadd.s32 s0, s3;
	s0 =	sld [smem:$0x3FAC]  }
0x30: {  	s3 =	sld [smem:$0x3FAF]  }
0x31: {  	[smem:$0x3FB8] =	sst s10  }
0x32: {  	s10 =	sld [smem:$0x3FB6];
	_ =	sdelay $0x3  }
0x33: {  	p0 =	seq.s32 s10, $0x1;
	s10 =	sld [smem:$0x3FB8];
	_ =	sdelay $0x3  }
0x34: {  	[smem:$0x3FB8] =	sst s10  }
0x35: {  	s10 =	sld [smem:$0x3FB7];
	_ =	sdelay $0x3  }
0x36: {  	p1 =	seq.s32 s10, $0x1;
	s10 =	sld [smem:$0x3FB8];
	_ =	sdelay $0x3  }
0x37: {  	[smem:$0x3FB8] =	sst s10  }
0x38: {  	s10 =	sld [smem:$0x3FB9]  }
0x39: {  	_ = 	snop;
	(pc) =	sbr.ind lr, $3  }
0x3a: {  	_ = 	snop  }
0x3b: {  	_ = 	snop  }
0x3c: {  	p2 =	seq.s32 s10, $0x1;
	s10 =	sld [smem:$0x3FB8]  }
0x3d: {  	_ =	shalt  }
0x3e: {  	_ =	shalt  }
0x3f: {  	_ =	shalt  }
0x40: {  	_ =	shalt  }
0x41: {  	_ =	shalt  }
0x42: {  	_ =	shalt  }
0x43: {  	_ =	shalt  }
0x44: {  	_ =	shalt  }
0x45: {  	_ =	shalt  }
0x46: {  	_ =	shalt  }
0x47: {  	_ =	shalt  }
0x48: {  	_ =	shalt  }
0x49: {  	_ =	shalt  }
0x4a: {  	_ =	shalt  }
0x4b: {  	_ =	shalt  }
0x4c: {  	_ =	shalt  }
0x4d: {  	_ =	shalt  }
0x4e: {  	_ =	shalt  }
0x4f: {  	_ =	shalt  }
0x50: {  	_ =	shalt  }
0x51: {  	_ =	shalt  }
0x52: {  	_ =	shalt  }
0x53: {  	_ =	shalt  }
0x54: {  	_ =	shalt  }
0x55: {  	_ =	shalt  }
0x56: {  	_ =	shalt  }
0x57: {  	_ =	shalt  }
0x58: {  	_ =	shalt  }
0x59: {  	_ =	shalt  }
0x5a: {  	_ =	shalt  }
0x5b: {  	_ =	shalt  }
0x5c: {  	_ =	shalt  }
0x5d: {  	_ =	shalt  }
0x5e: {  	_ =	shalt  }
0x5f: {  	_ =	shalt  }
0x60: {  	_ =	shalt  }
0x61: {  	_ =	shalt  }
0x62: {  	_ =	shalt  }
0x63: {  	_ =	shalt  }
0x64: {  	_ =	shalt  }
0x65: {  	_ =	shalt  }
0x66: {  	_ =	shalt  }
0x67: {  	_ =	shalt  }
0x68: {  	_ =	shalt  }
0x69: {  	_ =	shalt  }
0x6a: {  	_ =	shalt  }
0x6b: {  	_ =	shalt  }
0x6c: {  	_ =	shalt  }
0x6d: {  	_ =	shalt  }
0x6e: {  	_ =	shalt  }
0x6f: {  	_ =	shalt  }
0x70: {  	_ =	shalt  }
0x71: {  	_ =	shalt  }
0x72: {  	_ =	shalt  }
0x73: {  	_ =	shalt  }
0x74: {  	_ =	shalt  }
0x75: {  	_ =	shalt  }
0x76: {  	_ =	shalt  }
0x77: {  	_ =	shalt  }
0x78: {  	_ =	shalt  }
0x79: {  	_ =	shalt  }
0x7a: {  	_ =	shalt  }
0x7b: {  	_ =	shalt  }
0x7c: {  	_ =	shalt  }
0x7d: {  	_ =	shalt  }
0x7e: {  	_ =	shalt  }
0x7f: {  	_ =	shalt  }
0x80: {  	_ =	shalt  }
0x81: {  	_ =	shalt  }
0x82: {  	_ =	shalt  }
0x83: {  	_ =	shalt  }
0x84: {  	_ =	shalt  }
0x85: {  	_ =	shalt  }
0x86: {  	_ =	shalt  }
0x87: {  	_ =	shalt  }
.Lfunc_end0:
.L_simem_size_0:
called_computation_lowered:
.L_overlay_start_0:
0x88: {  	s2 =	sld [smem:$0x3FD9]  }
0x89: {  	s3 =	sld [smem:$0x3FFE];
	_ =	sdelay $0x1  }
0x8a: {  	s1 =	srdreg.scid  }
0x8b: {  	s0 =	sand.u32 $0x1, s1  }
0x8c: {  	s17 =	sshll.u32 s0, $0xA;
	s2 =	sadd.s32 s3, s2  }
0x8d: {  	s2 =	sadd.s32 s2, s17  }
0x8e: {  	[smem:$0x3FC4] =	sst s2  }
0x8f: {  	_ = 	snop  }
0x90: {  	s2 =	sld [smem:$0x3FC9]  }
0x91: {  	s18 =	sld [smem:$0x3FD0];
	(tm) =	ssettm $0x1  }
0x92: {  	s4 =	sld [smem:$0x3FFB];
	_ =	sdelay $0x3  }
0x93: {  	_ =	strace s4  }
0x94: {  	s4 =	sld [smem:$0x3FFC];
	_ =	sdelay $0x3  }
0x95: {  	_ =	strace s4  }
0x96: {  	s4 =	sld [smem:$0x3FFD];
	_ =	sdelay $0x3  }
0x97: {  	_ =	strace s4  }
0x98: {  	_ =	strace $0x8FFFFFFF  }
0x99: {  	s19 =	sld [smem:$0x3FDB];
	_ =	sdelay $0x1  }
0x9a: {  	s5 =	simm.s32 $_scs_section_size  }
0x9b: {  	s6 =	simm.s32 $_size__tile_overlayer_lowered;
	s7 =	simm.s32 $_tile_overlayer_lowered  }
0x9c: {  	s22 =	simm.s32 $0x1BFF;
	s21 =	sshll.u32 s7, $0x1;
	s4 =	sadd.s32 s5, s19  }
0x9d: {  	s8 =	simm.s32 $0x0;
	s20 =	sshll.u32 s6, $0x1;
	s6 =	sadd.s32 s21, s4  }
0x9e: {  	[timem:s8], [sflag:s22] =	dma.local [hbm:s6], s20  }
0x9f: {  	_ =	swait.ge [sflag:s22], s20  }
0xa0: {  	s5 =	ssub.s32 $0x0, s20;
	[sflag:s22] =	ssyncset.done $0x0  }
0xa1: {  	[sflag:s22] =	ssyncadd.s32 s5;
	_ =	sdelay $0x1  }
0xa2: {  	s23 =	simm.s32 $0x1B8B  }
0xa3: {  	_ =	swait.ge [sflag:s23], $0x1  }
0xa4: {  	[sflag:s23] =	ssyncset.done $0x0  }
0xa5: {  	s25 =	simm.s32 $0x1B8E;
	s24 =	sld [smem:$0x3FFE];
	[sflag:s23] =	ssyncadd.s32 $0xFFFFFFFF  }
0xa6: {  	s26 =	simm.s32 $execute0_lowered;
	[smem:$0x3FD2] =	sst s25  }
0xa7: {  	s6 =	sshll.u32 s26, $0x1;
	_ =	strace $0x80000046;
	[dreg:$0x1] =	wrdreg $0xFFFFFFFF  }
0xa8: {  	s28 =	simm.s32 $_size_execute0_lowered;
	s4 =	sadd.s32 s4, s6;
	[dreg:$0x0] =	wrdreg $0x0  }
0xa9: {  	s6 =	sshll.u32 s28, $0x1;
	[dreg:$0x2] =	wrdreg s4  }
0xaa: {  	[dreg:$0x3] =	wrdreg s6  }
0xab: {  	[dreg:$0x4] =	wrdreg $0xC0  }
0xac: {  	_ =	task [dreg:s8], $0x5FFFF  }
0xad: {  	[dreg:$0x1] =	wrdreg $0xFFFFFFFF  }
0xae: {  	[dreg:$0x0] =	wrdreg $0x60  }
0xaf: {  	[dreg:$0x2] =	wrdreg s2  }
0xb0: {  	[dreg:$0x3] =	wrdreg s24  }
0xb1: {  	[dreg:$0x4] =	wrdreg s18  }
0xb2: {  	[dreg:$0x5] =	wrdreg $0x9  }
0xb3: {  	_ =	task.clear_ibuf [dreg:s8], $0x6FFFF;
	_ =	strace $0x90000046  }
0xb4: {  	s29 =	simm.s32 $0x9;
	_ =	strace $0x80000048  }
0xb5: {  	_ =	swait.ge [sflag:s29], $0x1  }
0xb6: {  	[sflag:s29] =	ssyncadd.s32 $0xFFFFFFFF  }
0xb7: {  	_ =	strace $0x90000048  }
0xb8: {  	_ =	sfence  }
0xb9: {  	s30 =	sld [smem:$0x0];
	_ =	sdelay $0x2  }
0xba: {  	s31 =	sshll.u32 s1, $0xD;
	s1 =	sshrl.u32 s1, $0x2  }
0xbb: {  	s3 =	sand.u32 $0x4000, s31;
	s1 =	sadd.s32 s1, s30  }
0xbc: {  	s0 =	sor.u32 s3, s0;
	s1 =	sshll.u32 s1, $0x11  }
0xbd: {  	s0 =	sor.u32 s1, s0  }
0xbe: {  	s0 =	sadd.s32 $0x8F2B, s0  }
0xbf: {  	[sflag:s0] =	ssyncadd.remote.s32 $0x1  }
0xc0: {  	_ =	sfence.sel $0xFFFF  }
0xc1: {  	[dreg:$0x0] =	wrdreg $0xFFFFFFFF;
	(pc) =	sbr.abs _section_cstart, $3  }
0xc2: {  	[dreg:$0x1] =	wrdreg $0xFFFFFFFF  }
0xc3: {  	_ =	task.clear_ibuf [dreg:s8], $0x2FFFF;
	_ =	strace $0x9FFFFFFF  }
0xc4: {  	(tm) =	ssettm $0x7FFFFFFF  }
0xc5: {  	_ =	shalt  }
tec
execute0_lowered:
.L_overlay_start_1:
0x0: {  	(tag) =	ssettag $0x1  }
0x1: {  	s1 =	rddreg [dreg:$0x0]  }
0x2: {  	s0 =	rddreg [dreg:$0x1];
	s2 =	srdreg.scid  }
0x3: {  	s3 =	stileid.u32;
	s7 =	rddreg [dreg:$0x2];
	s30 =	simm.s32 $0x20  }
0x4: {  	s31 =	simm.s32 $0x1D400;
	s11 =	simm.s32 $0x15400;
	s13 =	simm.s32 $0x16400  }
0x5: {  	s15 =	simm.s32 $0x17400;
	s17 =	simm.s32 $0x18400;
	s19 =	simm.s32 $0x19400  }
0x6: {  	s28 =	simm.s32 $0x1;
	s2 =	sand.u32 $0x1, s2;
	s4 =	sshll.u32 s3, $0x1  }
0x7: {  	s29 =	simm.s32 $0x1E400;
	s3 =	simm.s32 $0x0;
	s6 =	sor.u32 s2, s4  }
0x8: {  	s5 =	sadd.s32 $0xCBA00, s0;
	s2 =	ssub.s32 $0x2, s2;
	s4 =	smul.u32 $0x380, s6  }
0x9: {  	[smem:$0x7FF] =	sst s3;
	s9 =	sshrl.u32 s2, $0x1;
	s10 =	smul.u32 $0x2300, s6  }
0xa: {  	_ =	strace $0x80000047;
	s6 =	smul.u32 $0x31, s6;
	s21 =	ssub.s32 s2, s9  }
0xb: {  	s2 =	simm.s32 $0x13400;
	s9 =	simm.s32 $0x0;
	s8 =	sadd.s32 s4, s0  }
0xc: {  	s4 =	sadd.s32 $0x7A00, s0;
	s0 =	smax.u32 s21, $0x1;
	s21 =	simm.s32 $0x1A400  }
0xd: {  	s22 =	sadd.s32 $0xA00, s8;
	s8 =	sadd.s32 s7, s10;
	[dreg:$0x5] =	wrdreg s0  }
0xe: {  	s10 =	simm.s32 $0x3;
	[dreg:$0x4] =	wrdreg s22;
	s23 =	sadd.s32 $0x380, s8  }
0xf: {  	s0 =	simm.s32 $0x14400;
	s24 =	sadd.s32 $0x700, s8;
	[dreg:$0x6] =	wrdreg s23  }
0x10: {  	s7 =	simm.s32 $0x2;
	s25 =	sadd.s32 $0xA80, s8;
	[dreg:$0x7] =	wrdreg s24  }
0x11: {  	s26 =	sadd.s32 $0xE00, s8;
	s20 =	sadd.s32 $0x1180, s8;
	[dreg:$0x8] =	wrdreg s25  }
0x12: {  	s22 =	sadd.s32 $0x1500, s8;
	[dreg:$0x9] =	wrdreg s26;
	s24 =	sadd.s32 $0x1880, s8  }
0x13: {  	s26 =	sadd.s32 $0x1C00, s8;
	s23 =	simm.s32 $0x1B400;
	s25 =	simm.s32 $0x1C400  }
.LBB2_1:
0x14: {  	s12 =	rddreg [dreg:$0x4]  }
0x15: {  	[tilespmem:s3], [sflag:$0x3] =	stream.linear.gather [hbm4b:s12+s3], $0x1880, $0x38;
	[tilespmem:$0x1F400] =	vst v63  }
0x16: {  	_ =	swait.ge [sflag:s10], $0x1880  }
0x17: {  	[sflag:s10] =	ssyncset.done $0x0  }
0x18: {  	s16 =	simm.s32 $0x1C00;
	[sflag:s10] =	ssyncadd.s32 $0xFFFFE780  }
0x19: {  	[tilespmem:s16], [sflag:$0x3] =	stream.linear.gather [hbm4b:s8+s3], $0x1880, $0x38;
	[tilespmem:$0x1F400] =	vst v63  }
0x1a: {  	s14 =	simm.s32 $0x3800;
	s18 =	rddreg [dreg:$0x6]  }
0x1b: {  	[tilespmem:s14], [sflag:$0x3] =	stream.linear.gather [hbm4b:s18+s3], $0x1880, $0x38;
	[tilespmem:$0x1F400] =	vst v63  }
0x1c: {  	s16 =	rddreg [dreg:$0x7];
	s18 =	simm.s32 $0x5400  }
0x1d: {  	[tilespmem:s18], [sflag:$0x3] =	stream.linear.gather [hbm4b:s16+s3], $0x1880, $0x38;
	[tilespmem:$0x1F400] =	vst v63  }
0x1e: {  	s16 =	rddreg [dreg:$0x8];
	s18 =	simm.s32 $0x7000  }
0x1f: {  	[tilespmem:s18], [sflag:$0x3] =	stream.linear.gather [hbm4b:s16+s3], $0x1880, $0x38;
	[tilespmem:$0x1F400] =	vst v63  }
0x20: {  	s16 =	rddreg [dreg:$0x9];
	s18 =	simm.s32 $0x8C00  }
0x21: {  	[tilespmem:s18], [sflag:$0x3] =	stream.linear.gather [hbm4b:s16+s3], $0x1880, $0x38;
	[tilespmem:$0x1F400] =	vst v63  }
0x22: {  	s14 =	simm.s32 $0xA800  }
0x23: {  	[tilespmem:s14], [sflag:$0x3] =	stream.linear.gather [hbm4b:s20+s3], $0x1880, $0x38;
	[tilespmem:$0x1F400] =	vst v63  }
0x24: {  	s16 =	simm.s32 $0xC400  }
0x25: {  	[tilespmem:s16], [sflag:$0x3] =	stream.linear.gather [hbm4b:s22+s3], $0x1880, $0x38;
	[tilespmem:$0x1F400] =	vst v63  }
0x26: {  	s18 =	simm.s32 $0xE000  }
0x27: {  	[tilespmem:s18], [sflag:$0x3] =	stream.linear.gather [hbm4b:s24+s3], $0x1880, $0x38;
	[tilespmem:$0x1F400] =	vst v63  }
0x28: {  	s14 =	simm.s32 $0xFC00  }
0x29: {  	[tilespmem:s14], [sflag:$0x3] =	stream.linear.gather [hbm4b:s26+s3], $0x1880, $0x38;
	[tilespmem:$0x1F400] =	vst v63  }
0x2a: {  	s16 =	sadd.s32 $0x1F80, s8;
	s18 =	simm.s32 $0x11800  }
0x2b: {  	[tilespmem:s18], [sflag:$0x3] =	stream.linear.gather [hbm4b:s16+s3], $0x1880, $0x38;
	[tilespmem:$0x1F400] =	vst v63  }
0x2c: {  	_ =	swait.ge [sflag:s10], $0xF500  }
0x2d: {  	[sflag:s10] =	ssyncset.done $0x0  }
0x2e: {  	s12 =	simm.s32 $0x0;
	[sflag:s10] =	ssyncadd.s32 $0xFFFF0B00  }
.LBB2_2:
0x2f: {  	s14 =	sshll.u32 s12, $0x7  }
0x30: {  	[tilespmem:s31], [sflag:$0x1] =	stream.indirect.gather [hbm4b:s1+s30], $0x80, s14, s30, $0xb8;
	[tilespmem:$0x1F400] =	vst v63  }
0x31: {  	s16 =	sadd.s32 $0x1C00, s14  }
0x32: {  	[tilespmem:s2], [sflag:$0x1] =	stream.indirect.gather [hbm4b:s1+s30], $0x80, s16, s30, $0xb8;
	[tilespmem:$0x1F400] =	vst v63  }
0x33: {  	s18 =	sadd.s32 $0x3800, s14  }
0x34: {  	[tilespmem:s0], [sflag:$0x1] =	stream.indirect.gather [hbm4b:s1+s30], $0x80, s18, s30, $0xb8;
	[tilespmem:$0x1F400] =	vst v63  }
0x35: {  	s18 =	sadd.s32 $0x5400, s14  }
0x36: {  	[tilespmem:s11], [sflag:$0x1] =	stream.indirect.gather [hbm4b:s1+s30], $0x80, s18, s30, $0xb8;
	[tilespmem:$0x1F400] =	vst v63  }
0x37: {  	s18 =	sadd.s32 $0x7000, s14  }
0x38: {  	[tilespmem:s13], [sflag:$0x1] =	stream.indirect.gather [hbm4b:s1+s30], $0x80, s18, s30, $0xb8;
	[tilespmem:$0x1F400] =	vst v63  }
0x39: {  	s18 =	sadd.s32 $0x8C00, s14  }
0x3a: {  	[tilespmem:s15], [sflag:$0x1] =	stream.indirect.gather [hbm4b:s1+s30], $0x80, s18, s30, $0xb8;
	[tilespmem:$0x1F400] =	vst v63  }
0x3b: {  	s18 =	sadd.s32 $0xA800, s14  }
0x3c: {  	[tilespmem:s17], [sflag:$0x1] =	stream.indirect.gather [hbm4b:s1+s30], $0x80, s18, s30, $0xb8;
	[tilespmem:$0x1F400] =	vst v63  }
0x3d: {  	s18 =	sadd.s32 $0xC400, s14  }
0x3e: {  	[tilespmem:s19], [sflag:$0x1] =	stream.indirect.gather [hbm4b:s1+s30], $0x80, s18, s30, $0xb8;
	[tilespmem:$0x1F400] =	vst v63  }
0x3f: {  	s18 =	sadd.s32 $0xE000, s14  }
0x40: {  	[tilespmem:s21], [sflag:$0x1] =	stream.indirect.gather [hbm4b:s1+s30], $0x80, s18, s30, $0xb8;
	[tilespmem:$0x1F400] =	vst v63  }
0x41: {  	s18 =	sadd.s32 $0xFC00, s14  }
0x42: {  	[tilespmem:s23], [sflag:$0x1] =	stream.indirect.gather [hbm4b:s1+s30], $0x80, s18, s30, $0xb8;
	[tilespmem:$0x1F400] =	vst v63  }
0x43: {  	s14 =	sadd.s32 $0x11800, s14  }
0x44: {  	[tilespmem:s25], [sflag:$0x1] =	stream.indirect.gather [hbm4b:s1+s30], $0x80, s14, s30, $0xb8;
	[tilespmem:$0x1F400] =	vst v63  }
0x45: {  	_ =	swait.ge [sflag:s28], $0x1000  }
0x46: {  	[sflag:s28] =	ssyncset.done $0x0  }
0x47: {  	[sflag:s28] =	ssyncadd.s32 $0xFFFFF000  }
0x48: {  	_ =	swait.ge [sflag:s28], $0x1000  }
0x49: {  	[sflag:s28] =	ssyncset.done $0x0  }
0x4a: {  	[sflag:s28] =	ssyncadd.s32 $0xFFFFF000  }
0x4b: {  	_ =	swait.ge [sflag:s28], $0x1000  }
0x4c: {  	[sflag:s28] =	ssyncset.done $0x0  }
0x4d: {  	[sflag:s28] =	ssyncadd.s32 $0xFFFFF000  }
0x4e: {  	_ =	swait.ge [sflag:s28], $0x1000  }
0x4f: {  	[sflag:s28] =	ssyncset.done $0x0  }
0x50: {  	[sflag:s28] =	ssyncadd.s32 $0xFFFFF000  }
0x51: {  	_ =	swait.ge [sflag:s28], $0x1000  }
0x52: {  	[sflag:s28] =	ssyncset.done $0x0  }
0x53: {  	[sflag:s28] =	ssyncadd.s32 $0xFFFFF000  }
0x54: {  	_ =	swait.ge [sflag:s28], $0x1000  }
0x55: {  	[sflag:s28] =	ssyncset.done $0x0  }
0x56: {  	[sflag:s28] =	ssyncadd.s32 $0xFFFFF000  }
0x57: {  	_ =	swait.ge [sflag:s28], $0x1000  }
0x58: {  	[sflag:s28] =	ssyncset.done $0x0  }
0x59: {  	[sflag:s28] =	ssyncadd.s32 $0xFFFFF000  }
0x5a: {  	_ =	swait.ge [sflag:s28], $0x1000  }
0x5b: {  	[sflag:s28] =	ssyncset.done $0x0  }
0x5c: {  	[sflag:s28] =	ssyncadd.s32 $0xFFFFF000  }
0x5d: {  	_ =	swait.ge [sflag:s28], $0x1000  }
0x5e: {  	[sflag:s28] =	ssyncset.done $0x0  }
0x5f: {  	[sflag:s28] =	ssyncadd.s32 $0xFFFFF000  }
0x60: {  	_ =	swait.ge [sflag:s28], $0x1000  }
0x61: {  	[sflag:s28] =	ssyncset.done $0x0  }
0x62: {  	[sflag:s28] =	ssyncadd.s32 $0xFFFFF000  }
0x63: {  	_ =	swait.ge [sflag:s28], $0x1000  }
0x64: {  	[sflag:s28] =	ssyncset.done $0x0  }
0x65: {  	s14 =	simm.s32 $0x0;
	[sflag:s28] =	ssyncadd.s32 $0xFFFFF000  }
0x66: {  	v0 =	vld [tilespmem:s14+$0x13470]  }
0x67: {  	v1 =	vld [tilespmem:s14+$0x14470]  }
0x68: {  	v2 =	vld [tilespmem:s14+$0x13400]  }
0x69: {  	v3 =	vld [tilespmem:s14+$0x15470]  }
0x6a: {  	v4 =	vld [tilespmem:s14+$0x14400]  }
0x6b: {  	v5 =	vld [tilespmem:s14+$0x16470]  }
0x6c: {  	v6 =	vld [tilespmem:s14+$0x13410]  }
0x6d: {  	v7 =	vld [tilespmem:s14+$0x14410]  }
0x6e: {  	v8 =	vld [tilespmem:s14+$0x13420]  }
0x6f: {  	v9 =	vld [tilespmem:s14+$0x14420]  }
0x70: {  	v10 =	vld [tilespmem:s14+$0x13430]  }
0x71: {  	v11 =	vld [tilespmem:s14+$0x14430]  }
0x72: {  	v12 =	vld [tilespmem:s14+$0x13440]  }
0x73: {  	v13 =	vld [tilespmem:s14+$0x13450]  }
0x74: {  	v14 =	vld [tilespmem:s14+$0x13460]  }
0x75: {  	v15 =	vld [tilespmem:s14+$0x15400]  }
0x76: {  	v16 =	vld [tilespmem:s14+$0x15420]  }
0x77: {  	v17 =	vld [tilespmem:s14+$0x15430]  }
0x78: {  	v18 =	vld [tilespmem:s14+$0x15440]  }
0x79: {  	v19 =	vld [tilespmem:s14+$0x15450]  }
0x7a: {  	v20 =	vld [tilespmem:s14+$0x15460]  }
0x7b: {  	v21 =	vld [tilespmem:s14+$0x16400]  }
0x7c: {  	v22 =	vld [tilespmem:s14+$0x16410]  }
0x7d: {  	v23 =	vld [tilespmem:s14+$0x16420]  }
0x7e: {  	v24 =	vld [tilespmem:s14+$0x16430]  }
0x7f: {  	v25 =	vld [tilespmem:s14+$0x16440]  }
0x80: {  	v26 =	vld [tilespmem:s14+$0x16450]  }
0x81: {  	v27 =	vld [tilespmem:s14+$0x16460]  }
0x82: {  	v28 =	vld [tilespmem:s14+$0x17400]  }
0x83: {  	v29 =	vld [tilespmem:s14+$0x17410]  }
0x84: {  	v30 =	vld [tilespmem:s14+$0x17420]  }
0x85: {  	v31 =	vld [tilespmem:s14+$0x17430]  }
0x86: {  	v32 =	vld [tilespmem:s14+$0x17440]  }
0x87: {  	v33 =	vld [tilespmem:s14+$0x17450]  }
0x88: {  	v34 =	vld [tilespmem:s14+$0x17460]  }
0x89: {  	v35 =	vld [tilespmem:s14+$0x18400]  }
0x8a: {  	v36 =	vld [tilespmem:s14+$0x18410]  }
0x8b: {  	v37 =	vld [tilespmem:s14+$0x18420]  }
0x8c: {  	v38 =	vld [tilespmem:s14+$0x18430]  }
0x8d: {  	v39 =	vld [tilespmem:s14+$0x18440]  }
0x8e: {  	v40 =	vld [tilespmem:s14+$0x18450]  }
0x8f: {  	v41 =	vld [tilespmem:s14+$0x18460]  }
0x90: {  	v44 =	vld [tilespmem:s14+$0x19450];
	v0 =	vadd.f32 v1, v0  }
0x91: {  	v1 =	vld [tilespmem:s14+$0x17470]  }
0x92: {  	v45 =	vld [tilespmem:s14+$0x19460];
	v2 =	vadd.f32 v4, v2;
	v0 =	vadd.f32 v3, v0  }
0x93: {  	v6 =	vadd.f32 v7, v6;
	v7 =	vadd.f32 v9, v8;
	v3 =	vld [tilespmem:s14+$0x18470]  }
0x94: {  	v4 =	vld [tilespmem:s14+$0x19400];
	v9 =	vadd.f32 v11, v10;
	v0 =	vadd.f32 v5, v0  }
0x95: {  	v2 =	vadd.f32 v15, v2;
	v7 =	vadd.f32 v16, v7;
	v5 =	vld [tilespmem:s14+$0x19470]  }
0x96: {  	v10 =	vld [tilespmem:s14+$0x19420];
	v9 =	vadd.f32 v17, v9;
	v0 =	vadd.f32 v1, v0  }
0x97: {  	v2 =	vadd.f32 v21, v2;
	v7 =	vadd.f32 v23, v7;
	v1 =	vld [tilespmem:s14+$0x1A470]  }
0x98: {  	v11 =	vld [tilespmem:s14+$0x19430];
	v9 =	vadd.f32 v24, v9;
	v0 =	vadd.f32 v3, v0  }
0x99: {  	v2 =	vadd.f32 v28, v2;
	v7 =	vadd.f32 v30, v7;
	v3 =	vld [tilespmem:s14+$0x1B470]  }
0x9a: {  	v46 =	vld [tilespmem:s14+$0x1A400];
	v9 =	vadd.f32 v31, v9;
	v0 =	vadd.f32 v5, v0  }
0x9b: {  	v2 =	vadd.f32 v35, v2;
	v7 =	vadd.f32 v37, v7;
	v5 =	vld [tilespmem:s14+$0x1C470]  }
0x9c: {  	v49 =	vld [tilespmem:s14+$0x1A430];
	v9 =	vadd.f32 v38, v9;
	v0 =	vadd.f32 v1, v0  }
0x9d: {  	v53 =	vld [tilespmem:s14+$0x1B400];
	v2 =	vadd.f32 v4, v2;
	v4 =	vadd.f32 v10, v7  }
0x9e: {  	v7 =	vadd.f32 v11, v9;
	v11 =	vld [tilespmem:s14+$0x1C400];
	v0 =	vadd.f32 v3, v0  }
0x9f: {  	v1 =	vld [tilespmem:s14+$0x14440]  }
0xa0: {  	v3 =	vld [tilespmem:s14+$0x14450];
	v0 =	vadd.f32 v5, v0  }
0xa1: {  	v2 =	vadd.f32 v46, v2;
	v5 =	vld [tilespmem:s14+$0x14460]  }
0xa2: {  	[tilespmem:s14+$0x1E470] =	vst v0;
	v0 =	vld [tilespmem:s14+$0x15410]  }
0xa3: {  	v47 =	vld [tilespmem:s14+$0x1A410];
	v61 =	vadd.f32 v53, v2  }
0xa4: {  	v48 =	vld [tilespmem:s14+$0x1A420];
	v58 =	vadd.f32 v49, v7;
	v1 =	vadd.f32 v1, v12  }
0xa5: {  	v50 =	vld [tilespmem:s14+$0x1A440];
	v11 =	vadd.f32 v11, v61;
	v3 =	vadd.f32 v3, v13  }
0xa6: {  	v51 =	vld [tilespmem:s14+$0x1A450];
	v1 =	vadd.f32 v18, v1;
	v5 =	vadd.f32 v5, v14  }
0xa7: {  	v52 =	vld [tilespmem:s14+$0x1A460];
	v3 =	vadd.f32 v19, v3;
	v0 =	vadd.f32 v0, v6  }
0xa8: {  	v54 =	vld [tilespmem:s14+$0x1B410];
	v1 =	vadd.f32 v25, v1;
	v5 =	vadd.f32 v20, v5  }
0xa9: {  	v6 =	vld [tilespmem:s14+$0x19440];
	v3 =	vadd.f32 v26, v3;
	v0 =	vadd.f32 v22, v0  }
0xaa: {  	v8 =	vld [tilespmem:s14+$0x19410];
	v1 =	vadd.f32 v32, v1;
	v5 =	vadd.f32 v27, v5  }
0xab: {  	v55 =	vld [tilespmem:s14+$0x1B420];
	v3 =	vadd.f32 v33, v3;
	v0 =	vadd.f32 v29, v0  }
0xac: {  	v56 =	vld [tilespmem:s14+$0x1B430];
	v1 =	vadd.f32 v39, v1;
	v5 =	vadd.f32 v34, v5  }
0xad: {  	v57 =	vld [tilespmem:s14+$0x1C410];
	v3 =	vadd.f32 v40, v3;
	v0 =	vadd.f32 v36, v0  }
0xae: {  	v59 =	vld [tilespmem:s14+$0x1C420];
	v1 =	vadd.f32 v6, v1;
	v6 =	vadd.f32 v48, v4  }
0xaf: {  	v9 =	vld [tilespmem:s14+$0x1B450];
	v5 =	vadd.f32 v41, v5;
	v0 =	vadd.f32 v8, v0  }
0xb0: {  	v3 =	vadd.f32 v44, v3;
	v1 =	vadd.f32 v50, v1;
	v8 =	vld [tilespmem:s14+$0x1B440]  }
0xb1: {  	v10 =	vld [tilespmem:s14+$0x1B460];
	v63 =	vadd.f32 v55, v6;
	v0 =	vadd.f32 v47, v0  }
0xb2: {  	v7 =	vld [tilespmem:s14+$0x1C430];
	v5 =	vadd.f32 v45, v5;
	v3 =	vadd.f32 v51, v3  }
0xb3: {  	v4 =	vld [tilespmem:s14+$0x1C440];
	v6 =	vadd.f32 v56, v58;
	v62 =	vadd.f32 v54, v0  }
0xb4: {  	v60 =	vadd.f32 v52, v5;
	v5 =	vld [tilespmem:s14+$0x1C450];
	v3 =	vadd.f32 v9, v3  }
0xb5: {  	s18 =	simm.s32 $0x80;
	v2 =	vadd.f32 v8, v1;
	v8 =	vld [tilespmem:s14+$0x1C460];
	v9 =	vadd.f32 v57, v62  }
0xb6: {  	s16 =	simm.s32 $0x400;
	v0 =	vadd.f32 v10, v60;
	v10 =	vadd.f32 v59, v63;
	v1 =	vld [tilespmem:s18+$0x13470];
	[tilespmem:s14+$0x1E400] =	vst v11  }
.LBB2_3:
0xb7: {  	p0 =	sne.s32 s16, $0x3E00;
	v11 =	vld [tilespmem:s18+$0x14470];
	[tilespmem:s14+$0x1E410] =	vst v9;
	v6 =	vadd.f32 v7, v6  }
0xb8: {  	v7 =	vld [tilespmem:s18+$0x13400];
	[tilespmem:s14+$0x1E420] =	vst v10;
	v2 =	vadd.f32 v4, v2  }
0xb9: {  	v4 =	vld [tilespmem:s18+$0x15470];
	[tilespmem:s14+$0x1E430] =	vst v6;
	v3 =	vadd.f32 v5, v3  }
0xba: {  	v5 =	vld [tilespmem:s18+$0x14400];
	[tilespmem:s14+$0x1E440] =	vst v2;
	v0 =	vadd.f32 v8, v0  }
0xbb: {  	v2 =	vld [tilespmem:s18+$0x16470];
	[tilespmem:s14+$0x1E450] =	vst v3  }
0xbc: {  	v3 =	vld [tilespmem:s18+$0x13410];
	v1 =	vadd.f32 v11, v1;
	[tilespmem:s14+$0x1E460] =	vst v0;
	s14 =	smov.u32 s18  }
0xbd: {  	v0 =	vld [tilespmem:s14+$0x17470]  }
0xbe: {  	v6 =	vld [tilespmem:s14+$0x14410];
	v1 =	vadd.f32 v4, v1  }
0xbf: {  	v4 =	vadd.f32 v5, v7;
	v5 =	vld [tilespmem:s14+$0x18470]  }
0xc0: {  	v7 =	vld [tilespmem:s14+$0x13420];
	v1 =	vadd.f32 v2, v1  }
0xc1: {  	v2 =	vld [tilespmem:s14+$0x19470]  }
0xc2: {  	v8 =	vld [tilespmem:s14+$0x14420];
	v0 =	vadd.f32 v0, v1  }
0xc3: {  	v1 =	vadd.f32 v6, v3;
	v3 =	vld [tilespmem:s14+$0x1A470]  }
0xc4: {  	v6 =	vld [tilespmem:s14+$0x13430];
	v0 =	vadd.f32 v5, v0  }
0xc5: {  	v5 =	vld [tilespmem:s14+$0x1B470]  }
0xc6: {  	v9 =	vld [tilespmem:s14+$0x14430];
	v0 =	vadd.f32 v2, v0  }
0xc7: {  	v2 =	vadd.f32 v8, v7;
	v7 =	vld [tilespmem:s14+$0x1C470]  }
0xc8: {  	v8 =	vld [tilespmem:s14+$0x13440];
	v0 =	vadd.f32 v3, v0  }
0xc9: {  	v3 =	vld [tilespmem:s14+$0x14440]  }
0xca: {  	v10 =	vld [tilespmem:s14+$0x13450];
	v0 =	vadd.f32 v5, v0  }
0xcb: {  	v5 =	vadd.f32 v9, v6;
	v6 =	vld [tilespmem:s14+$0x14450]  }
0xcc: {  	v9 =	vld [tilespmem:s14+$0x13460];
	v0 =	vadd.f32 v7, v0  }
0xcd: {  	v7 =	vld [tilespmem:s14+$0x14460]  }
0xce: {  	v11 =	vld [tilespmem:s14+$0x15400];
	v3 =	vadd.f32 v3, v8;
	[tilespmem:s14+$0x1E470] =	vst v0  }
0xcf: {  	v0 =	vld [tilespmem:s14+$0x15410]  }
0xd0: {  	v8 =	vld [tilespmem:s14+$0x15420];
	v6 =	vadd.f32 v6, v10  }
0xd1: {  	v10 =	vld [tilespmem:s14+$0x15430]  }
0xd2: {  	v12 =	vld [tilespmem:s14+$0x15440];
	v7 =	vadd.f32 v7, v9  }
0xd3: {  	v4 =	vadd.f32 v11, v4;
	v9 =	vld [tilespmem:s14+$0x15450]  }
0xd4: {  	v0 =	vadd.f32 v0, v1;
	v1 =	vld [tilespmem:s14+$0x15460]  }
0xd5: {  	v11 =	vld [tilespmem:s14+$0x16400];
	v2 =	vadd.f32 v8, v2  }
0xd6: {  	v8 =	vld [tilespmem:s14+$0x16410];
	v5 =	vadd.f32 v10, v5  }
0xd7: {  	v10 =	vld [tilespmem:s14+$0x16420];
	v3 =	vadd.f32 v12, v3  }
0xd8: {  	v12 =	vld [tilespmem:s14+$0x16430];
	v6 =	vadd.f32 v9, v6  }
0xd9: {  	v9 =	vld [tilespmem:s14+$0x16440];
	v1 =	vadd.f32 v1, v7  }
0xda: {  	v4 =	vadd.f32 v11, v4;
	v7 =	vld [tilespmem:s14+$0x16450]  }
0xdb: {  	v0 =	vadd.f32 v8, v0;
	v8 =	vld [tilespmem:s14+$0x16460]  }
0xdc: {  	v11 =	vld [tilespmem:s14+$0x17400];
	v2 =	vadd.f32 v10, v2  }
0xdd: {  	v10 =	vld [tilespmem:s14+$0x17410];
	v5 =	vadd.f32 v12, v5  }
0xde: {  	v12 =	vld [tilespmem:s14+$0x17420];
	v3 =	vadd.f32 v9, v3  }
0xdf: {  	v9 =	vld [tilespmem:s14+$0x17430];
	v6 =	vadd.f32 v7, v6  }
0xe0: {  	v7 =	vld [tilespmem:s14+$0x17440];
	v1 =	vadd.f32 v8, v1  }
0xe1: {  	v4 =	vadd.f32 v11, v4;
	v8 =	vld [tilespmem:s14+$0x17450]  }
0xe2: {  	v0 =	vadd.f32 v10, v0;
	v10 =	vld [tilespmem:s14+$0x17460]  }
0xe3: {  	v11 =	vld [tilespmem:s14+$0x18400];
	v2 =	vadd.f32 v12, v2  }
0xe4: {  	v12 =	vld [tilespmem:s14+$0x18410];
	v5 =	vadd.f32 v9, v5  }
0xe5: {  	v9 =	vld [tilespmem:s14+$0x18420];
	v3 =	vadd.f32 v7, v3  }
0xe6: {  	v7 =	vld [tilespmem:s14+$0x18430];
	v6 =	vadd.f32 v8, v6  }
0xe7: {  	v8 =	vld [tilespmem:s14+$0x18440];
	v1 =	vadd.f32 v10, v1  }
0xe8: {  	v4 =	vadd.f32 v11, v4;
	v10 =	vld [tilespmem:s14+$0x18450]  }
0xe9: {  	v0 =	vadd.f32 v12, v0;
	v11 =	vld [tilespmem:s14+$0x18460]  }
0xea: {  	v12 =	vld [tilespmem:s14+$0x19400];
	v2 =	vadd.f32 v9, v2  }
0xeb: {  	v9 =	vld [tilespmem:s14+$0x19410];
	v5 =	vadd.f32 v7, v5  }
0xec: {  	v7 =	vld [tilespmem:s14+$0x19420];
	v3 =	vadd.f32 v8, v3  }
0xed: {  	v8 =	vld [tilespmem:s14+$0x19430];
	v6 =	vadd.f32 v10, v6  }
0xee: {  	v10 =	vld [tilespmem:s14+$0x19440];
	v1 =	vadd.f32 v11, v1  }
0xef: {  	v4 =	vadd.f32 v12, v4;
	v11 =	vld [tilespmem:s14+$0x19450]  }
0xf0: {  	v0 =	vadd.f32 v9, v0;
	v9 =	vld [tilespmem:s14+$0x19460]  }
0xf1: {  	v12 =	vld [tilespmem:s14+$0x1A400];
	v2 =	vadd.f32 v7, v2  }
0xf2: {  	v7 =	vld [tilespmem:s14+$0x1A410];
	v5 =	vadd.f32 v8, v5  }
0xf3: {  	v8 =	vld [tilespmem:s14+$0x1A420];
	v3 =	vadd.f32 v10, v3  }
0xf4: {  	v10 =	vld [tilespmem:s14+$0x1A430];
	v6 =	vadd.f32 v11, v6  }
0xf5: {  	v11 =	vld [tilespmem:s14+$0x1A440];
	v1 =	vadd.f32 v9, v1  }
0xf6: {  	v4 =	vadd.f32 v12, v4;
	v9 =	vld [tilespmem:s14+$0x1A450]  }
0xf7: {  	v0 =	vadd.f32 v7, v0;
	v7 =	vld [tilespmem:s14+$0x1A460]  }
0xf8: {  	v12 =	vld [tilespmem:s14+$0x1B400];
	v2 =	vadd.f32 v8, v2  }
0xf9: {  	v8 =	vld [tilespmem:s14+$0x1B410];
	v5 =	vadd.f32 v10, v5  }
0xfa: {  	v10 =	vld [tilespmem:s14+$0x1B420];
	v3 =	vadd.f32 v11, v3  }
0xfb: {  	v11 =	vld [tilespmem:s14+$0x1B430];
	v9 =	vadd.f32 v9, v6  }
0xfc: {  	v13 =	vld [tilespmem:s14+$0x1B440];
	v1 =	vadd.f32 v7, v1  }
0xfd: {  	v12 =	vadd.f32 v12, v4;
	v4 =	vld [tilespmem:s14+$0x1B450]  }
0xfe: {  	v8 =	vadd.f32 v8, v0;
	v0 =	vld [tilespmem:s14+$0x1B460]  }
0xff: {  	v14 =	vld [tilespmem:s14+$0x1C400];
	v10 =	vadd.f32 v10, v2  }
0x100: {  	v15 =	vld [tilespmem:s14+$0x1C410];
	v6 =	vadd.f32 v11, v5  }
0x101: {  	v11 =	vld [tilespmem:s14+$0x1C420];
	v2 =	vadd.f32 v13, v3  }
.Ltmp0:
0x102: {  	v7 =	vld [tilespmem:s14+$0x1C430];
	v3 =	vadd.f32 v4, v9;
	(pc) =	sbr.rel @p0 .LBB2_3-.Ltmp0, $4  }
0x103: {  	v4 =	vld [tilespmem:s14+$0x1C440];
	v0 =	vadd.f32 v0, v1  }
0x104: {  	v12 =	vadd.f32 v14, v12;
	v5 =	vld [tilespmem:s14+$0x1C450]  }
0x105: {  	s18 =	sshra.s32 s16, $0x2;
	v9 =	vadd.f32 v15, v8;
	v8 =	vld [tilespmem:s14+$0x1C460]  }
0x106: {  	s16 =	sadd.s32 $0x200, s16;
	v1 =	vld [tilespmem:s18+$0x13470];
	[tilespmem:s14+$0x1E400] =	vst v12;
	v10 =	vadd.f32 v11, v10  }
0x107: {  	v11 =	vld [tilespmem:s18+$0x14470];
	[tilespmem:s14+$0x1E410] =	vst v9;
	v6 =	vadd.f32 v7, v6  }
0x108: {  	v9 =	vld [tilespmem:s18+$0x13400];
	[tilespmem:s14+$0x1E420] =	vst v10;
	v2 =	vadd.f32 v4, v2  }
0x109: {  	v56 =	vld [tilespmem:s18+$0x15470];
	[tilespmem:s14+$0x1E430] =	vst v6;
	v3 =	vadd.f32 v5, v3  }
0x10a: {  	v57 =	vld [tilespmem:s18+$0x14400];
	[tilespmem:s14+$0x1E440] =	vst v2;
	v0 =	vadd.f32 v8, v0  }
0x10b: {  	v2 =	vld [tilespmem:s18+$0x16470];
	[tilespmem:s14+$0x1E450] =	vst v3  }
0x10c: {  	v3 =	vld [tilespmem:s18+$0x13410];
	[tilespmem:s14+$0x1E460] =	vst v0  }
0x10d: {  	v59 =	vld [tilespmem:s18+$0x17470]  }
0x10e: {  	v60 =	vld [tilespmem:s18+$0x14410]  }
0x10f: {  	v6 =	vld [tilespmem:s18+$0x18470]  }
0x110: {  	v61 =	vld [tilespmem:s18+$0x13420]  }
0x111: {  	v62 =	vld [tilespmem:s18+$0x19470]  }
0x112: {  	v63 =	vld [tilespmem:s18+$0x14420]  }
0x113: {  	v43 =	vld [tilespmem:s18+$0x1A470]  }
0x114: {  	v10 =	vld [tilespmem:s18+$0x13430]  }
0x115: {  	v44 =	vld [tilespmem:s18+$0x1B470]  }
0x116: {  	v45 =	vld [tilespmem:s18+$0x14430]  }
0x117: {  	v46 =	vld [tilespmem:s18+$0x1C470]  }
0x118: {  	v12 =	vld [tilespmem:s18+$0x13440]  }
0x119: {  	v47 =	vld [tilespmem:s18+$0x14440]  }
0x11a: {  	v13 =	vld [tilespmem:s18+$0x13450]  }
0x11b: {  	v48 =	vld [tilespmem:s18+$0x14450]  }
0x11c: {  	v14 =	vld [tilespmem:s18+$0x13460]  }
0x11d: {  	v49 =	vld [tilespmem:s18+$0x14460]  }
0x11e: {  	v15 =	vld [tilespmem:s18+$0x15400]  }
0x11f: {  	v50 =	vld [tilespmem:s18+$0x15410]  }
0x120: {  	v16 =	vld [tilespmem:s18+$0x15420]  }
0x121: {  	v17 =	vld [tilespmem:s18+$0x15430]  }
0x122: {  	v18 =	vld [tilespmem:s18+$0x15440]  }
0x123: {  	v19 =	vld [tilespmem:s18+$0x15450]  }
0x124: {  	v20 =	vld [tilespmem:s18+$0x15460]  }
0x125: {  	v21 =	vld [tilespmem:s18+$0x16400]  }
0x126: {  	v22 =	vld [tilespmem:s18+$0x16410]  }
0x127: {  	v23 =	vld [tilespmem:s18+$0x16420]  }
0x128: {  	v24 =	vld [tilespmem:s18+$0x16430]  }
0x129: {  	v25 =	vld [tilespmem:s18+$0x16440]  }
0x12a: {  	v26 =	vld [tilespmem:s18+$0x16450]  }
0x12b: {  	v27 =	vld [tilespmem:s18+$0x16460]  }
0x12c: {  	v28 =	vld [tilespmem:s18+$0x17400]  }
0x12d: {  	v29 =	vld [tilespmem:s18+$0x17410]  }
0x12e: {  	v30 =	vld [tilespmem:s18+$0x17420]  }
0x12f: {  	v31 =	vld [tilespmem:s18+$0x17430]  }
0x130: {  	v32 =	vld [tilespmem:s18+$0x17440]  }
0x131: {  	v33 =	vld [tilespmem:s18+$0x17450]  }
0x132: {  	v58 =	vadd.f32 v11, v1;
	v34 =	vld [tilespmem:s18+$0x17460]  }
0x133: {  	v35 =	vld [tilespmem:s18+$0x18400]  }
0x134: {  	v36 =	vld [tilespmem:s18+$0x18410];
	v0 =	vadd.f32 v56, v58  }
0x135: {  	v37 =	vld [tilespmem:s18+$0x18420]  }
0x136: {  	v38 =	vld [tilespmem:s18+$0x18430];
	v0 =	vadd.f32 v2, v0  }
0x137: {  	v39 =	vld [tilespmem:s18+$0x18440];
	v4 =	vadd.f32 v57, v9  }
0x138: {  	v40 =	vld [tilespmem:s18+$0x18450];
	v0 =	vadd.f32 v59, v0;
	v3 =	vadd.f32 v60, v3  }
0x139: {  	v41 =	vld [tilespmem:s18+$0x18460];
	v52 =	vadd.f32 v63, v61;
	v54 =	vadd.f32 v45, v10  }
0x13a: {  	v51 =	vld [tilespmem:s18+$0x19400];
	v1 =	vadd.f32 v47, v12;
	v2 =	vadd.f32 v49, v14  }
0x13b: {  	v53 =	vld [tilespmem:s18+$0x19410];
	v4 =	vadd.f32 v15, v4;
	v0 =	vadd.f32 v6, v0  }
0x13c: {  	v55 =	vld [tilespmem:s18+$0x19420];
	v6 =	vadd.f32 v48, v13;
	v5 =	vadd.f32 v16, v52  }
0x13d: {  	v42 =	vld [tilespmem:s18+$0x1A440];
	v8 =	vadd.f32 v17, v54;
	v1 =	vadd.f32 v18, v1  }
0x13e: {  	v56 =	vld [tilespmem:s18+$0x19430];
	v2 =	vadd.f32 v20, v2;
	v4 =	vadd.f32 v21, v4  }
0x13f: {  	v58 =	vld [tilespmem:s18+$0x19450];
	v0 =	vadd.f32 v62, v0;
	v6 =	vadd.f32 v19, v6  }
0x140: {  	v57 =	vld [tilespmem:s18+$0x19440];
	v5 =	vadd.f32 v23, v5;
	v8 =	vadd.f32 v24, v8  }
0x141: {  	v59 =	vld [tilespmem:s18+$0x19460];
	v1 =	vadd.f32 v25, v1;
	v2 =	vadd.f32 v27, v2  }
0x142: {  	v60 =	vld [tilespmem:s18+$0x1A400];
	v4 =	vadd.f32 v28, v4;
	v0 =	vadd.f32 v43, v0  }
0x143: {  	v61 =	vld [tilespmem:s18+$0x1A410];
	v6 =	vadd.f32 v26, v6;
	v5 =	vadd.f32 v30, v5  }
0x144: {  	v63 =	vld [tilespmem:s18+$0x1A430];
	v8 =	vadd.f32 v31, v8;
	v1 =	vadd.f32 v32, v1  }
0x145: {  	v45 =	vld [tilespmem:s18+$0x1B400];
	v2 =	vadd.f32 v34, v2;
	v4 =	vadd.f32 v35, v4  }
0x146: {  	v47 =	vld [tilespmem:s18+$0x1B420];
	v0 =	vadd.f32 v44, v0;
	v6 =	vadd.f32 v33, v6  }
0x147: {  	v49 =	vld [tilespmem:s18+$0x1B440];
	v5 =	vadd.f32 v37, v5;
	v8 =	vadd.f32 v38, v8  }
0x148: {  	v48 =	vld [tilespmem:s18+$0x1B430];
	v1 =	vadd.f32 v39, v1;
	v2 =	vadd.f32 v41, v2  }
0x149: {  	v62 =	vld [tilespmem:s18+$0x1A420];
	v4 =	vadd.f32 v51, v4;
	v0 =	vadd.f32 v46, v0  }
0x14a: {  	v52 =	vld [tilespmem:s18+$0x1B460];
	v6 =	vadd.f32 v40, v6;
	v5 =	vadd.f32 v55, v5  }
0x14b: {  	v44 =	vld [tilespmem:s18+$0x1A460];
	v8 =	vadd.f32 v56, v8;
	v1 =	vadd.f32 v57, v1  }
0x14c: {  	v43 =	vld [tilespmem:s18+$0x1A450];
	v2 =	vadd.f32 v59, v2;
	[tilespmem:s18+$0x1E470] =	vst v0;
	v0 =	vadd.f32 v50, v3  }
0x14d: {  	v46 =	vld [tilespmem:s18+$0x1B410];
	v4 =	vadd.f32 v60, v4;
	v51 =	vadd.f32 v58, v6  }
0x14e: {  	v55 =	vld [tilespmem:s18+$0x1C420];
	v5 =	vadd.f32 v62, v5;
	v0 =	vadd.f32 v22, v0  }
0x14f: {  	v57 =	vld [tilespmem:s18+$0x1C440];
	v8 =	vadd.f32 v63, v8;
	v1 =	vadd.f32 v42, v1  }
0x150: {  	v50 =	vld [tilespmem:s18+$0x1B450];
	v2 =	vadd.f32 v44, v2;
	v0 =	vadd.f32 v29, v0  }
0x151: {  	v59 =	vld [tilespmem:s18+$0x1C460];
	v3 =	vadd.f32 v43, v51;
	v5 =	vadd.f32 v47, v5  }
0x152: {  	v58 =	vld [tilespmem:s18+$0x1C450];
	v8 =	vadd.f32 v48, v8;
	v0 =	vadd.f32 v36, v0  }
0x153: {  	v56 =	vld [tilespmem:s18+$0x1C430];
	v1 =	vadd.f32 v49, v1;
	v2 =	vadd.f32 v52, v2  }
0x154: {  	v60 =	vadd.f32 v55, v5;
	v0 =	vadd.f32 v53, v0;
	v53 =	vld [tilespmem:s18+$0x1C400]  }
0x155: {  	v54 =	vld [tilespmem:s18+$0x1C410];
	v1 =	vadd.f32 v57, v1;
	v3 =	vadd.f32 v50, v3  }
0x156: {  	v63 =	vadd.f32 v59, v2;
	[tilespmem:s18+$0x1E420] =	vst v60;
	v0 =	vadd.f32 v61, v0  }
0x157: {  	v4 =	vadd.f32 v45, v4;
	[tilespmem:s18+$0x1E440] =	vst v1;
	v62 =	vadd.f32 v58, v3  }
0x158: {  	[tilespmem:s18+$0x1E460] =	vst v63;
	v61 =	vadd.f32 v56, v8;
	v0 =	vadd.f32 v46, v0  }
0x159: {  	[tilespmem:s18+$0x1E450] =	vst v62;
	v4 =	vadd.f32 v53, v4  }
0x15a: {  	s16 =	sadd.s32 s6, s12;
	[tilespmem:s18+$0x1E430] =	vst v61;
	v0 =	vadd.f32 v54, v0  }
0x15b: {  	s14 =	sshll.u32 s16, $0x9;
	[tilespmem:s18+$0x1E400] =	vst v4  }
0x15c: {  	s16 =	sadd.s32 s4, s14;
	[tilespmem:s18+$0x1E410] =	vst v0  }
0x15d: {  	[hbm4b:s16+s3] =	stream.linear.scatter [tilespmem:s31], [sflag:$0x2], $0x1000, $0x38;
	[tilespmem:$0x1F400] =	vst v63  }
0x15e: {  	s12 =	sadd.s32 $0x1, s12;
	s14 =	sadd.s32 s5, s14  }
0x15f: {  	[hbm4b:s14+s3] =	stream.linear.scatter [tilespmem:s29], [sflag:$0x2], $0x1000, $0x38;
	[tilespmem:$0x1F400] =	vst v63  }
0x160: {  	p0 =	sne.s32 s12, $0x31;
	_ =	swait.ge [sflag:s7], $0x1000  }
.Ltmp1:
0x161: {  	[sflag:s7] =	ssyncset.done $0x0;
	(pc) =	sbr.rel @p0 .LBB2_2-.Ltmp1, $4  }
0x162: {  	[sflag:s7] =	ssyncadd.s32 $0xFFFFF000  }
0x163: {  	_ =	swait.ge [sflag:s7], $0x1000  }
0x164: {  	[sflag:s7] =	ssyncset.done $0x0  }
0x165: {  	[sflag:s7] =	ssyncadd.s32 $0xFFFFF000  }
0x166: {  	s9 =	sadd.s32 $0x1, s9;
	s12 =	rddreg [dreg:$0x5]  }
0x167: {  	p0 =	sne.s32 s9, s12  }
.Ltmp2:
0x168: {  	_ = 	snop;
	(pc) =	sbr.rel @p0 .LBB2_1-.Ltmp2, $1  }
0x169: {  	_ =	sdelay $0x3  }
0x16a: {  	_ =	sfence.sel $0x180000  }
0x16b: {  	[bflag:$0x0] =	sbarrier.arrive $0xFFFF  }
0x16c: {  	_ =	strace $0x90000047  }
0x16d: {  	s0 =	stileid.u32;
	[bflag:$0x2] =	sbarrier.arrive $0xFFFF  }
0x16e: {  	p0 =	sne.s32 s0, $0x0;
	s0 =	rddreg [dreg:$0x3]  }
0x16f: {  	s0 =	sadd.s32 @!p0 $0x100000, s0  }
0x170: {  	[sflag:s0] =	ssyncadd.tile.s32 @!p0 $0x1;
	_ =	shalt  }
.Lfunc_end2:
_tile_overlayer_lowered:
.L_overlay_start_2:
0x171: {  	(tag) =	ssettag $0x2  }
0x172: {  	s0 =	rddreg [dreg:$0x0];
	s2 =	stileid.u32  }
0x173: {  	s1 =	rddreg [dreg:$0x1];
	p0 =	sne.s32 s2, $0x0  }
0x174: {  	s3 =	rddreg [dreg:$0x2];
	[bflag:$0x3] =	sbarrier.arrive $0xFFFF;
	s2 =	simm.s32 @!p0 $0x1C03  }
0x175: {  	[timem:s3], [sflag:s2] =	dma.local @!p0 [hbm:s0], s1  }
0x176: {  	s0 =	simm.s32 @!p0 $0x3  }
0x177: {  	_ =	swait.ge @!p0 [sflag:s0], s1  }
0x178: {  	s1 =	ssub.s32 @!p0 $0x0, s1;
	[sflag:s0] =	ssyncset.done @!p0 $0x0  }
0x179: {  	[sflag:s0] =	ssyncadd.s32 @!p0 s1  }
0x17a: {  	[bflag:$0x3] =	sbarrier.arrive $0xFFFF  }
0x17b: {  	_ =	shalt  }

</sc_bundles>
